<compile_context>
chip_gen: v7x
topology: tpu7x:2x2x1
jax: 0.10.2.dev20260603
libtpu: 0.0.44.dev20260713+nightly
codegen_flags: <defaults>
</compile_context>

<pallas_src>
import functools

import jax
import jax.numpy as jnp
from jax import lax
from jax.experimental import pallas as pl
from jax.experimental.pallas import tpu as pltpu
from jax.experimental.pallas import tpu_sc as plsc

_B = 16384
_IN = 512
_HID = 1024
_MID = 128
_LAT = 256
_K = 8192
_CC = 0.25

_BM1 = 256
_NB1 = _B // _BM1
_BM3 = 512
_NB3 = _B // _BM3

_NC = 2
_NS = 16
_NW = _NC * _NS
_BPW = _B // _NW
_CH = 128
_NCH = _BPW // _CH


def _mm(a, b, dims):
    return lax.dot_general(a, b, (dims, ((), ())),
                           preferred_element_type=jnp.float32)


def _enc_body(x_ref, we1_ref, be1_ref, we2_ref, be2_ref, we3_ref, be3_ref,
              e_ref, e2_ref, ze_ref, idx_ref):
    h = jnp.maximum(_mm(x_ref[...], we1_ref[...], ((1,), (0,))) + be1_ref[...], 0.0)
    h = jnp.maximum(_mm(h, we2_ref[...], ((1,), (0,))) + be2_ref[...], 0.0)
    z = _mm(h, we3_ref[...], ((1,), (0,))) + be3_ref[...]
    ze_ref[...] = z
    s = _mm(z, e_ref[...], ((1,), (1,)))
    d = e2_ref[...] - 2.0 * s
    m = jnp.min(d, axis=1, keepdims=True)
    ids = lax.broadcasted_iota(jnp.int32, (_BM1, _K), 1)
    sel = jnp.where(d == m, ids, _K)
    idx_ref[...] = jnp.min(sel, axis=1).reshape(1, 1, _BM1)


def _run_stage1(x, We1, be1, We2, be2, We3, be3, E, e2, interpret=False):
    full = lambda shape: pl.BlockSpec(shape, lambda i: (0,) * len(shape))
    return pl.pallas_call(
        _enc_body,
        grid=(_NB1,),
        in_specs=[
            pl.BlockSpec((_BM1, _IN), lambda i: (i, 0)),
            full((_IN, _HID)), full((1, _HID)),
            full((_HID, _MID)), full((1, _MID)),
            full((_MID, _LAT)), full((1, _LAT)),
            full((_K, _LAT)), full((1, _K)),
        ],
        out_specs=[
            pl.BlockSpec((_BM1, _LAT), lambda i: (i, 0)),
            pl.BlockSpec((1, 1, _BM1), lambda i: (i, 0, 0)),
        ],
        out_shape=[
            jax.ShapeDtypeStruct((_B, _LAT), jnp.float32),
            jax.ShapeDtypeStruct((_NB1, 1, _BM1), jnp.int32),
        ],
        compiler_params=pltpu.CompilerParams(
            dimension_semantics=("arbitrary",)),
        interpret=interpret,
    )(x, We1, be1, We2, be2, We3, be3, E, e2)


def _sc_body(e_hbm, idx_hbm, z0_hbm, q_hbm, cnt_hbm,
             idx_v, rows_v, ones_v, shared, sem):
    c = lax.axis_index("c")
    s = lax.axis_index("s")
    wid = s * _NC + c
    base = wid * _BPW
    for j in range(_NCH):
        pltpu.sync_copy(idx_hbm.at[pl.ds(base + j * _CH, _CH)], idx_v.at[j])
    for j in range(_NCH):
        pltpu.async_copy(e_hbm.at[idx_v.at[j]], rows_v, sem).wait()
        pltpu.sync_copy(rows_v, q_hbm.at[pl.ds(base + j * _CH, _CH)])
    for t in range(_CH // 16):
        ones_v[pl.ds(t * 16, 16)] = jnp.full((16,), 1.0, jnp.float32)

    @pl.when(s == 0)
    def _():
        pltpu.sync_copy(z0_hbm.at[c], shared)

    plsc.subcore_barrier()
    for j in range(_NCH):
        pltpu.sync_copy(ones_v, shared.at[idx_v.at[j]], add=True)
    plsc.subcore_barrier()

    @pl.when(s == 0)
    def _():
        pltpu.sync_copy(shared, cnt_hbm.at[c])


@functools.cache
def _sc_gather_counts():
    return pl.kernel(
        _sc_body,
        out_type=[
            jax.ShapeDtypeStruct((_B, _LAT), jnp.float32),
            jax.ShapeDtypeStruct((_NC, _K), jnp.float32),
        ],
        mesh=plsc.VectorSubcoreMesh(core_axis_name="c", subcore_axis_name="s"),
        scratch_types=[
            pltpu.VMEM((_NCH, _CH), jnp.int32),
            pltpu.VMEM((_CH, _LAT), jnp.float32),
            pltpu.VMEM((_CH,), jnp.float32),
            pltpu.VMEM_SHARED((_K,), jnp.float32),
            pltpu.SemaphoreType.DMA,
        ],
    )


def _dec_body(q_ref, z_ref, wd1_ref, bd1_ref, wd2_ref, bd2_ref, wd3_ref,
              bd3_ref, cnt_ref, xr_ref, vq_ref, pp_ref):
    i = pl.program_id(0)

    @pl.when(i == 0)
    def _():
        vq_ref[...] = jnp.zeros((1, 1), jnp.float32)

    q = q_ref[...]
    diff = q - z_ref[...]
    vq_ref[...] += jnp.sum(diff * diff, keepdims=True)
    d = jnp.maximum(_mm(q, wd1_ref[...], ((1,), (0,))) + bd1_ref[...], 0.0)
    d = jnp.maximum(_mm(d, wd2_ref[...], ((1,), (0,))) + bd2_ref[...], 0.0)
    xr_ref[...] = _mm(d, wd3_ref[...], ((1,), (0,))) + bd3_ref[...]

    @pl.when(i == _NB3 - 1)
    def _():
        vq_ref[...] = vq_ref[...] * ((1.0 + _CC) / (_B * _LAT))
        p = (cnt_ref[0:1, :] + cnt_ref[1:2, :]) * (1.0 / _B)
        ent = -jnp.sum(p * jnp.log(p + 1e-10), keepdims=True)
        pp_ref[...] = jnp.exp(ent)


def _run_stage3(quant, z_e, Wd1, bd1, Wd2, bd2, Wd3, bd3, counts,
                interpret=False):
    full = lambda shape: pl.BlockSpec(shape, lambda i: (0,) * len(shape))
    return pl.pallas_call(
        _dec_body,
        grid=(_NB3,),
        in_specs=[
            pl.BlockSpec((_BM3, _LAT), lambda i: (i, 0)),
            pl.BlockSpec((_BM3, _LAT), lambda i: (i, 0)),
            full((_LAT, _MID)), full((1, _MID)),
            full((_MID, _HID)), full((1, _HID)),
            full((_HID, _IN)), full((1, _IN)),
            full((_NC, _K)),
        ],
        out_specs=[
            pl.BlockSpec((_BM3, _IN), lambda i: (i, 0)),
            full((1, 1)),
            full((1, 1)),
        ],
        out_shape=[
            jax.ShapeDtypeStruct((_B, _IN), jnp.float32),
            jax.ShapeDtypeStruct((1, 1), jnp.float32),
            jax.ShapeDtypeStruct((1, 1), jnp.float32),
        ],
        compiler_params=pltpu.CompilerParams(
            dimension_semantics=("arbitrary",)),
        interpret=interpret,
    )(quant, z_e, Wd1, bd1, Wd2, bd2, Wd3, bd3, counts)


def kernel(x, We1, be1, We2, be2, We3, be3, E, Wd1, bd1, Wd2, bd2, Wd3, bd3):
    e2 = jnp.sum(E ** 2, axis=1).reshape(1, _K)
    z_e, idx3 = _run_stage1(x, We1, be1.reshape(1, _HID), We2,
                            be2.reshape(1, _MID), We3, be3.reshape(1, _LAT),
                            E, e2)
    idx = idx3.reshape(_B)
    zeros2 = jnp.zeros((_NC, _K), jnp.float32)
    quant, counts = _sc_gather_counts()(E, idx, zeros2)
    x_recon, vq, pp = _run_stage3(quant, z_e, Wd1, bd1.reshape(1, _MID), Wd2,
                                  bd2.reshape(1, _HID), Wd3,
                                  bd3.reshape(1, _IN), counts)
    return x_recon, vq[0, 0], pp[0, 0]

# --- scband reference (transcript-rebuilt; emitter-appended) ---
"""Pipeline reference for scband-vqvae-81432579932438 (READ-ONLY COPY).

The authoritative reference and input builder live on the scoring server;
editing this copy changes nothing except your own understanding.
"""

import jax, jax.numpy as jnp
import numpy as np

B = 16384
IN_DIM = 512
HID = 1024
LAT = 256
K = 8192
CC = 0.25


def _kaiming(k, fan_in, fan_out):
    return jax.random.normal(k, (fan_in, fan_out), jnp.float32) * np.sqrt(2.0 / fan_in)


def setup_inputs(seed: int = 0) -> dict:
    key = jax.random.key(seed)
    ks = jax.random.split(key, 9)
    inp = {
        "x": jax.random.normal(ks[0], (B, IN_DIM), jnp.float32),
        "We1": _kaiming(ks[1], IN_DIM, HID), "be1": jnp.zeros((HID,), jnp.float32),
        "We2": _kaiming(ks[2], HID, 128),   "be2": jnp.zeros((128,), jnp.float32),
        "We3": _kaiming(ks[3], 128, LAT),   "be3": jnp.zeros((LAT,), jnp.float32),
        "E": jax.random.uniform(ks[4], (K, LAT), jnp.float32, -1.0, 1.0),
        "Wd1": _kaiming(ks[5], LAT, 128),   "bd1": jnp.zeros((128,), jnp.float32),
        "Wd2": _kaiming(ks[6], 128, HID),   "bd2": jnp.zeros((HID,), jnp.float32),
        "Wd3": _kaiming(ks[7], HID, IN_DIM), "bd3": jnp.zeros((IN_DIM,), jnp.float32),
    }
    return inp


def reference(x, We1, be1, We2, be2, We3, be3, E, Wd1, bd1, Wd2, bd2, Wd3, bd3):
    # Encoder
    h = jax.nn.relu(x @ We1 + be1)
    h = jax.nn.relu(h @ We2 + be2)
    z_e = h @ We3 + be3
    # VectorQuantizer
    flat = z_e.reshape(-1, LAT)
    distances = (jnp.sum(flat ** 2, axis=1, keepdims=True)
                 - 2.0 * (flat @ E.T)
                 + jnp.sum(E ** 2, axis=1))
    encoding_indices = jnp.argmin(distances, axis=1)
    encodings = jax.nn.one_hot(encoding_indices, K, dtype=jnp.float32)
    quantized = (encodings @ E).reshape(z_e.shape)
    e_latent_loss = jnp.mean((jax.lax.stop_gradient(quantized) - z_e) ** 2)
    q_latent_loss = jnp.mean((quantized - jax.lax.stop_gradient(z_e)) ** 2)
    vq_loss = q_latent_loss + CC * e_latent_loss
    z_q = z_e + jax.lax.stop_gradient(quantized - z_e)
    avg_probs = jnp.mean(encodings, axis=0)
    perplexity = jnp.exp(-jnp.sum(avg_probs * jnp.log(avg_probs + 1e-10)))
    # Decoder
    d = jax.nn.relu(z_q @ Wd1 + bd1)
    d = jax.nn.relu(d @ Wd2 + bd2)
    x_recon = d @ Wd3 + bd3
    return (x_recon, vq_loss, perplexity)

if __name__ == "__main__":
    import jax
    _d = setup_inputs()
    print(jax.jit(kernel)(*tuple(_d.values())))

</pallas_src>

<mosaic_0001>
#map = affine_map<(d0, d1) -> (0, 0)>
#map1 = affine_map<(d0, d1) -> (0)>
module attributes {stable_mosaic.version = 14 : i64} {
  func.func @_sc_body(%arg0: i32, %arg1: i32, %arg2: memref<8192x256xf32, #tpu.memory_space<hbm>>, %arg3: memref<16384xi32, #tpu.memory_space<hbm>>, %arg4: memref<2x8192xf32, #tpu.memory_space<hbm>>, %arg5: memref<16384x256xf32, #tpu.memory_space<hbm>>, %arg6: memref<2x8192xf32, #tpu.memory_space<hbm>>, %arg7: memref<4x128xi32, #tpu.memory_space<vmem>>, %arg8: memref<128x256xf32, #tpu.memory_space<vmem>>, %arg9: memref<128xf32, #tpu.memory_space<vmem>>, %arg10: memref<8192xf32, #tpu.memory_space<vmem_shared>>, %arg11: memref<!tpu.dma_semaphore, #tpu.memory_space<semaphore_mem>>) attributes {dimension_semantics = [#tpu.dimension_semantics<core_parallel>, #tpu.dimension_semantics<subcore_parallel>], iteration_bounds = array<i64: 2, 16>, scalar_prefetch = 0 : i64, scratch_operands = 5 : i64, tpu.core_type = #tpu.core_type<sc_vector_subcore>, window_params = [{transform_indices = #map}, {transform_indices = #map1}, {transform_indices = #map}, {transform_indices = #map}, {transform_indices = #map}]} {
    %mul3A = arith.constant 2 : i32
    %mul3A_0 = arith.muli %arg1, %mul3A : i32
    %add3A = arith.addi %mul3A_0, %arg0 : i32
    %mul3A_1 = arith.constant 512 : i32
    %mul3A_2 = arith.muli %add3A, %mul3A_1 : i32
    %add3A_3 = arith.constant 0 : i32
    %add3A_4 = arith.addi %mul3A_2, %add3A_3 : i32
    %run_scoped3A = arith.constant 0 : i32
    "tpu.region"() ({
      %run_scoped3A_134 = tpu.sem_alloc : memref<!tpu.dma_semaphore, #tpu.memory_space<semaphore_mem>>
      %dma_start3A_135 = arith.constant 0 : i32
      %dma_start3A_136 = tpu.memref_slice %arg7[%run_scoped3A, %dma_start3A_135] : memref<4x128xi32, #tpu.memory_space<vmem>> -> memref<1x128xi32, #tpu.memory_space<vmem>>
      %dma_start3A_137 = tpu.memref_squeeze %dma_start3A_136 : memref<1x128xi32, #tpu.memory_space<vmem>> -> memref<128xi32, #tpu.memory_space<vmem>>
      %dma_start3A_138 = tpu.memref_slice %arg3[%add3A_4] : memref<16384xi32, #tpu.memory_space<hbm>> -> memref<128xi32, #tpu.memory_space<hbm>>
      %dma_start3A_139 = arith.constant 0 : i32
      %dma_start3A_140 = tpu.memref_slice %arg7[%run_scoped3A, %dma_start3A_139] : memref<4x128xi32, #tpu.memory_space<vmem>> -> memref<1x128xi32, #tpu.memory_space<vmem>>
      %dma_start3A_141 = tpu.memref_squeeze %dma_start3A_140 : memref<1x128xi32, #tpu.memory_space<vmem>> -> memref<128xi32, #tpu.memory_space<vmem>>
      %dma_start3A_142 = tpu.memref_slice %arg3[%add3A_4] : memref<16384xi32, #tpu.memory_space<hbm>> -> memref<128xi32, #tpu.memory_space<hbm>>
      tpu.enqueue_dma source(%dma_start3A_142 : memref<128xi32, #tpu.memory_space<hbm>>) target(%dma_start3A_141 : memref<128xi32, #tpu.memory_space<vmem>>) target_semaphore(%run_scoped3A_134 : memref<!tpu.dma_semaphore, #tpu.memory_space<semaphore_mem>>)
      %dma_wait3A_143 = arith.constant 0 : i32
      %dma_wait3A_144 = tpu.memref_slice %arg7[%run_scoped3A, %dma_wait3A_143] : memref<4x128xi32, #tpu.memory_space<vmem>> -> memref<1x128xi32, #tpu.memory_space<vmem>>
      %dma_wait3A_145 = tpu.memref_squeeze %dma_wait3A_144 : memref<1x128xi32, #tpu.memory_space<vmem>> -> memref<128xi32, #tpu.memory_space<vmem>>
      %dma_wait3A_146 = tpu.memref_slice %arg3[%add3A_4] : memref<16384xi32, #tpu.memory_space<hbm>> -> memref<128xi32, #tpu.memory_space<hbm>>
      %dma_wait3A_147 = arith.constant 0 : i32
      %dma_wait3A_148 = tpu.memref_slice %arg7[%run_scoped3A, %dma_wait3A_147] : memref<4x128xi32, #tpu.memory_space<vmem>> -> memref<1x128xi32, #tpu.memory_space<vmem>>
      %dma_wait3A_149 = tpu.memref_squeeze %dma_wait3A_148 : memref<1x128xi32, #tpu.memory_space<vmem>> -> memref<128xi32, #tpu.memory_space<vmem>>
      %dma_wait3A_150 = tpu.memref_slice %arg3[%add3A_4] : memref<16384xi32, #tpu.memory_space<hbm>> -> memref<128xi32, #tpu.memory_space<hbm>>
      tpu.wait_dma2 semaphore(%run_scoped3A_134 : memref<!tpu.dma_semaphore, #tpu.memory_space<semaphore_mem>>) src(%dma_wait3A_150 : memref<128xi32, #tpu.memory_space<hbm>>) dst(%dma_wait3A_149 : memref<128xi32, #tpu.memory_space<vmem>>)
      tpu.yield
    }) : () -> ()
    %add3A_5 = arith.constant 128 : i32
    %add3A_6 = arith.addi %mul3A_2, %add3A_5 : i32
    %run_scoped3A_7 = arith.constant 1 : i32
    "tpu.region"() ({
      %run_scoped3A_134 = tpu.sem_alloc : memref<!tpu.dma_semaphore, #tpu.memory_space<semaphore_mem>>
      %dma_start3A_135 = arith.constant 0 : i32
      %dma_start3A_136 = tpu.memref_slice %arg7[%run_scoped3A_7, %dma_start3A_135] : memref<4x128xi32, #tpu.memory_space<vmem>> -> memref<1x128xi32, #tpu.memory_space<vmem>>
      %dma_start3A_137 = tpu.memref_squeeze %dma_start3A_136 : memref<1x128xi32, #tpu.memory_space<vmem>> -> memref<128xi32, #tpu.memory_space<vmem>>
      %dma_start3A_138 = tpu.memref_slice %arg3[%add3A_6] : memref<16384xi32, #tpu.memory_space<hbm>> -> memref<128xi32, #tpu.memory_space<hbm>>
      %dma_start3A_139 = arith.constant 0 : i32
      %dma_start3A_140 = tpu.memref_slice %arg7[%run_scoped3A_7, %dma_start3A_139] : memref<4x128xi32, #tpu.memory_space<vmem>> -> memref<1x128xi32, #tpu.memory_space<vmem>>
      %dma_start3A_141 = tpu.memref_squeeze %dma_start3A_140 : memref<1x128xi32, #tpu.memory_space<vmem>> -> memref<128xi32, #tpu.memory_space<vmem>>
      %dma_start3A_142 = tpu.memref_slice %arg3[%add3A_6] : memref<16384xi32, #tpu.memory_space<hbm>> -> memref<128xi32, #tpu.memory_space<hbm>>
      tpu.enqueue_dma source(%dma_start3A_142 : memref<128xi32, #tpu.memory_space<hbm>>) target(%dma_start3A_141 : memref<128xi32, #tpu.memory_space<vmem>>) target_semaphore(%run_scoped3A_134 : memref<!tpu.dma_semaphore, #tpu.memory_space<semaphore_mem>>)
      %dma_wait3A_143 = arith.constant 0 : i32
      %dma_wait3A_144 = tpu.memref_slice %arg7[%run_scoped3A_7, %dma_wait3A_143] : memref<4x128xi32, #tpu.memory_space<vmem>> -> memref<1x128xi32, #tpu.memory_space<vmem>>
      %dma_wait3A_145 = tpu.memref_squeeze %dma_wait3A_144 : memref<1x128xi32, #tpu.memory_space<vmem>> -> memref<128xi32, #tpu.memory_space<vmem>>
      %dma_wait3A_146 = tpu.memref_slice %arg3[%add3A_6] : memref<16384xi32, #tpu.memory_space<hbm>> -> memref<128xi32, #tpu.memory_space<hbm>>
      %dma_wait3A_147 = arith.constant 0 : i32
      %dma_wait3A_148 = tpu.memref_slice %arg7[%run_scoped3A_7, %dma_wait3A_147] : memref<4x128xi32, #tpu.memory_space<vmem>> -> memref<1x128xi32, #tpu.memory_space<vmem>>
      %dma_wait3A_149 = tpu.memref_squeeze %dma_wait3A_148 : memref<1x128xi32, #tpu.memory_space<vmem>> -> memref<128xi32, #tpu.memory_space<vmem>>
      %dma_wait3A_150 = tpu.memref_slice %arg3[%add3A_6] : memref<16384xi32, #tpu.memory_space<hbm>> -> memref<128xi32, #tpu.memory_space<hbm>>
      tpu.wait_dma2 semaphore(%run_scoped3A_134 : memref<!tpu.dma_semaphore, #tpu.memory_space<semaphore_mem>>) src(%dma_wait3A_150 : memref<128xi32, #tpu.memory_space<hbm>>) dst(%dma_wait3A_149 : memref<128xi32, #tpu.memory_space<vmem>>)
      tpu.yield
    }) : () -> ()
    %add3A_8 = arith.constant 256 : i32
    %add3A_9 = arith.addi %mul3A_2, %add3A_8 : i32
    %run_scoped3A_10 = arith.constant 2 : i32
    "tpu.region"() ({
      %run_scoped3A_134 = tpu.sem_alloc : memref<!tpu.dma_semaphore, #tpu.memory_space<semaphore_mem>>
      %dma_start3A_135 = arith.constant 0 : i32
      %dma_start3A_136 = tpu.memref_slice %arg7[%run_scoped3A_10, %dma_start3A_135] : memref<4x128xi32, #tpu.memory_space<vmem>> -> memref<1x128xi32, #tpu.memory_space<vmem>>
      %dma_start3A_137 = tpu.memref_squeeze %dma_start3A_136 : memref<1x128xi32, #tpu.memory_space<vmem>> -> memref<128xi32, #tpu.memory_space<vmem>>
      %dma_start3A_138 = tpu.memref_slice %arg3[%add3A_9] : memref<16384xi32, #tpu.memory_space<hbm>> -> memref<128xi32, #tpu.memory_space<hbm>>
      %dma_start3A_139 = arith.constant 0 : i32
      %dma_start3A_140 = tpu.memref_slice %arg7[%run_scoped3A_10, %dma_start3A_139] : memref<4x128xi32, #tpu.memory_space<vmem>> -> memref<1x128xi32, #tpu.memory_space<vmem>>
      %dma_start3A_141 = tpu.memref_squeeze %dma_start3A_140 : memref<1x128xi32, #tpu.memory_space<vmem>> -> memref<128xi32, #tpu.memory_space<vmem>>
      %dma_start3A_142 = tpu.memref_slice %arg3[%add3A_9] : memref<16384xi32, #tpu.memory_space<hbm>> -> memref<128xi32, #tpu.memory_space<hbm>>
      tpu.enqueue_dma source(%dma_start3A_142 : memref<128xi32, #tpu.memory_space<hbm>>) target(%dma_start3A_141 : memref<128xi32, #tpu.memory_space<vmem>>) target_semaphore(%run_scoped3A_134 : memref<!tpu.dma_semaphore, #tpu.memory_space<semaphore_mem>>)
      %dma_wait3A_143 = arith.constant 0 : i32
      %dma_wait3A_144 = tpu.memref_slice %arg7[%run_scoped3A_10, %dma_wait3A_143] : memref<4x128xi32, #tpu.memory_space<vmem>> -> memref<1x128xi32, #tpu.memory_space<vmem>>
      %dma_wait3A_145 = tpu.memref_squeeze %dma_wait3A_144 : memref<1x128xi32, #tpu.memory_space<vmem>> -> memref<128xi32, #tpu.memory_space<vmem>>
      %dma_wait3A_146 = tpu.memref_slice %arg3[%add3A_9] : memref<16384xi32, #tpu.memory_space<hbm>> -> memref<128xi32, #tpu.memory_space<hbm>>
      %dma_wait3A_147 = arith.constant 0 : i32
      %dma_wait3A_148 = tpu.memref_slice %arg7[%run_scoped3A_10, %dma_wait3A_147] : memref<4x128xi32, #tpu.memory_space<vmem>> -> memref<1x128xi32, #tpu.memory_space<vmem>>
      %dma_wait3A_149 = tpu.memref_squeeze %dma_wait3A_148 : memref<1x128xi32, #tpu.memory_space<vmem>> -> memref<128xi32, #tpu.memory_space<vmem>>
      %dma_wait3A_150 = tpu.memref_slice %arg3[%add3A_9] : memref<16384xi32, #tpu.memory_space<hbm>> -> memref<128xi32, #tpu.memory_space<hbm>>
      tpu.wait_dma2 semaphore(%run_scoped3A_134 : memref<!tpu.dma_semaphore, #tpu.memory_space<semaphore_mem>>) src(%dma_wait3A_150 : memref<128xi32, #tpu.memory_space<hbm>>) dst(%dma_wait3A_149 : memref<128xi32, #tpu.memory_space<vmem>>)
      tpu.yield
    }) : () -> ()
    %add3A_11 = arith.constant 384 : i32
    %add3A_12 = arith.addi %mul3A_2, %add3A_11 : i32
    %run_scoped3A_13 = arith.constant 3 : i32
    "tpu.region"() ({
      %run_scoped3A_134 = tpu.sem_alloc : memref<!tpu.dma_semaphore, #tpu.memory_space<semaphore_mem>>
      %dma_start3A_135 = arith.constant 0 : i32
      %dma_start3A_136 = tpu.memref_slice %arg7[%run_scoped3A_13, %dma_start3A_135] : memref<4x128xi32, #tpu.memory_space<vmem>> -> memref<1x128xi32, #tpu.memory_space<vmem>>
      %dma_start3A_137 = tpu.memref_squeeze %dma_start3A_136 : memref<1x128xi32, #tpu.memory_space<vmem>> -> memref<128xi32, #tpu.memory_space<vmem>>
      %dma_start3A_138 = tpu.memref_slice %arg3[%add3A_12] : memref<16384xi32, #tpu.memory_space<hbm>> -> memref<128xi32, #tpu.memory_space<hbm>>
      %dma_start3A_139 = arith.constant 0 : i32
      %dma_start3A_140 = tpu.memref_slice %arg7[%run_scoped3A_13, %dma_start3A_139] : memref<4x128xi32, #tpu.memory_space<vmem>> -> memref<1x128xi32, #tpu.memory_space<vmem>>
      %dma_start3A_141 = tpu.memref_squeeze %dma_start3A_140 : memref<1x128xi32, #tpu.memory_space<vmem>> -> memref<128xi32, #tpu.memory_space<vmem>>
      %dma_start3A_142 = tpu.memref_slice %arg3[%add3A_12] : memref<16384xi32, #tpu.memory_space<hbm>> -> memref<128xi32, #tpu.memory_space<hbm>>
      tpu.enqueue_dma source(%dma_start3A_142 : memref<128xi32, #tpu.memory_space<hbm>>) target(%dma_start3A_141 : memref<128xi32, #tpu.memory_space<vmem>>) target_semaphore(%run_scoped3A_134 : memref<!tpu.dma_semaphore, #tpu.memory_space<semaphore_mem>>)
      %dma_wait3A_143 = arith.constant 0 : i32
      %dma_wait3A_144 = tpu.memref_slice %arg7[%run_scoped3A_13, %dma_wait3A_143] : memref<4x128xi32, #tpu.memory_space<vmem>> -> memref<1x128xi32, #tpu.memory_space<vmem>>
      %dma_wait3A_145 = tpu.memref_squeeze %dma_wait3A_144 : memref<1x128xi32, #tpu.memory_space<vmem>> -> memref<128xi32, #tpu.memory_space<vmem>>
      %dma_wait3A_146 = tpu.memref_slice %arg3[%add3A_12] : memref<16384xi32, #tpu.memory_space<hbm>> -> memref<128xi32, #tpu.memory_space<hbm>>
      %dma_wait3A_147 = arith.constant 0 : i32
      %dma_wait3A_148 = tpu.memref_slice %arg7[%run_scoped3A_13, %dma_wait3A_147] : memref<4x128xi32, #tpu.memory_space<vmem>> -> memref<1x128xi32, #tpu.memory_space<vmem>>
      %dma_wait3A_149 = tpu.memref_squeeze %dma_wait3A_148 : memref<1x128xi32, #tpu.memory_space<vmem>> -> memref<128xi32, #tpu.memory_space<vmem>>
      %dma_wait3A_150 = tpu.memref_slice %arg3[%add3A_12] : memref<16384xi32, #tpu.memory_space<hbm>> -> memref<128xi32, #tpu.memory_space<hbm>>
      tpu.wait_dma2 semaphore(%run_scoped3A_134 : memref<!tpu.dma_semaphore, #tpu.memory_space<semaphore_mem>>) src(%dma_wait3A_150 : memref<128xi32, #tpu.memory_space<hbm>>) dst(%dma_wait3A_149 : memref<128xi32, #tpu.memory_space<vmem>>)
      tpu.yield
    }) : () -> ()
    %dma_start3A = arith.constant 0 : i32
    %dma_start3A_14 = arith.constant 0 : i32
    %dma_start3A_15 = tpu.memref_slice %arg7[%dma_start3A, %dma_start3A_14] : memref<4x128xi32, #tpu.memory_space<vmem>> -> memref<1x128xi32, #tpu.memory_space<vmem>>
    %dma_start3A_16 = tpu.memref_squeeze %dma_start3A_15 : memref<1x128xi32, #tpu.memory_space<vmem>> -> memref<128xi32, #tpu.memory_space<vmem>>
    %dma_start3A_17 = arith.constant 0 : i32
    %dma_start3A_18 = arith.constant 0 : i32
    %dma_start3A_19 = tpu.memref_slice %arg2[%dma_start3A_17, %dma_start3A_18] : memref<8192x256xf32, #tpu.memory_space<hbm>> -> memref<8192x256xf32, #tpu.memory_space<hbm>>
    tpu.enqueue_indirect_dma source(%dma_start3A_19 : memref<8192x256xf32, #tpu.memory_space<hbm>>) target(%arg8 : memref<128x256xf32, #tpu.memory_space<vmem>>) offsets(%dma_start3A_16 : memref<128xi32, #tpu.memory_space<vmem>>) semaphore(%arg11 : memref<!tpu.dma_semaphore, #tpu.memory_space<semaphore_mem>>)
    %dma_wait3A = arith.constant 0 : i32
    %dma_wait3A_20 = arith.constant 0 : i32
    %dma_wait3A_21 = tpu.memref_slice %arg7[%dma_wait3A, %dma_wait3A_20] : memref<4x128xi32, #tpu.memory_space<vmem>> -> memref<1x128xi32, #tpu.memory_space<vmem>>
    %dma_wait3A_22 = tpu.memref_squeeze %dma_wait3A_21 : memref<1x128xi32, #tpu.memory_space<vmem>> -> memref<128xi32, #tpu.memory_space<vmem>>
    %dma_wait3A_23 = arith.constant 0 : i32
    %dma_wait3A_24 = arith.constant 0 : i32
    %dma_wait3A_25 = tpu.memref_slice %arg2[%dma_wait3A_23, %dma_wait3A_24] : memref<8192x256xf32, #tpu.memory_space<hbm>> -> memref<8192x256xf32, #tpu.memory_space<hbm>>
    tpu.wait_indirect_dma semaphore(%arg11 : memref<!tpu.dma_semaphore, #tpu.memory_space<semaphore_mem>>) src(%dma_wait3A_25 : memref<8192x256xf32, #tpu.memory_space<hbm>>) dst(%arg8 : memref<128x256xf32, #tpu.memory_space<vmem>>)
    %add3A_26 = arith.constant 0 : i32
    %add3A_27 = arith.addi %mul3A_2, %add3A_26 : i32
    "tpu.region"() ({
      %run_scoped3A_134 = tpu.sem_alloc : memref<!tpu.dma_semaphore, #tpu.memory_space<semaphore_mem>>
      %dma_start3A_135 = arith.constant 0 : i32
      %dma_start3A_136 = tpu.memref_slice %arg5[%add3A_27, %dma_start3A_135] : memref<16384x256xf32, #tpu.memory_space<hbm>> -> memref<128x256xf32, #tpu.memory_space<hbm>>
      %dma_start3A_137 = arith.constant 0 : i32
      %dma_start3A_138 = tpu.memref_slice %arg5[%add3A_27, %dma_start3A_137] : memref<16384x256xf32, #tpu.memory_space<hbm>> -> memref<128x256xf32, #tpu.memory_space<hbm>>
      tpu.enqueue_dma source(%arg8 : memref<128x256xf32, #tpu.memory_space<vmem>>) target(%dma_start3A_138 : memref<128x256xf32, #tpu.memory_space<hbm>>) target_semaphore(%run_scoped3A_134 : memref<!tpu.dma_semaphore, #tpu.memory_space<semaphore_mem>>)
      %dma_wait3A_139 = arith.constant 0 : i32
      %dma_wait3A_140 = tpu.memref_slice %arg5[%add3A_27, %dma_wait3A_139] : memref<16384x256xf32, #tpu.memory_space<hbm>> -> memref<128x256xf32, #tpu.memory_space<hbm>>
      %dma_wait3A_141 = arith.constant 0 : i32
      %dma_wait3A_142 = tpu.memref_slice %arg5[%add3A_27, %dma_wait3A_141] : memref<16384x256xf32, #tpu.memory_space<hbm>> -> memref<128x256xf32, #tpu.memory_space<hbm>>
      tpu.wait_dma2 semaphore(%run_scoped3A_134 : memref<!tpu.dma_semaphore, #tpu.memory_space<semaphore_mem>>) src(%arg8 : memref<128x256xf32, #tpu.memory_space<vmem>>) dst(%dma_wait3A_142 : memref<128x256xf32, #tpu.memory_space<hbm>>)
      tpu.yield
    }) : () -> ()
    %dma_start3A_28 = arith.constant 1 : i32
    %dma_start3A_29 = arith.constant 0 : i32
    %dma_start3A_30 = tpu.memref_slice %arg7[%dma_start3A_28, %dma_start3A_29] : memref<4x128xi32, #tpu.memory_space<vmem>> -> memref<1x128xi32, #tpu.memory_space<vmem>>
    %dma_start3A_31 = tpu.memref_squeeze %dma_start3A_30 : memref<1x128xi32, #tpu.memory_space<vmem>> -> memref<128xi32, #tpu.memory_space<vmem>>
    %dma_start3A_32 = arith.constant 0 : i32
    %dma_start3A_33 = arith.constant 0 : i32
    %dma_start3A_34 = tpu.memref_slice %arg2[%dma_start3A_32, %dma_start3A_33] : memref<8192x256xf32, #tpu.memory_space<hbm>> -> memref<8192x256xf32, #tpu.memory_space<hbm>>
    tpu.enqueue_indirect_dma source(%dma_start3A_34 : memref<8192x256xf32, #tpu.memory_space<hbm>>) target(%arg8 : memref<128x256xf32, #tpu.memory_space<vmem>>) offsets(%dma_start3A_31 : memref<128xi32, #tpu.memory_space<vmem>>) semaphore(%arg11 : memref<!tpu.dma_semaphore, #tpu.memory_space<semaphore_mem>>)
    %dma_wait3A_35 = arith.constant 1 : i32
    %dma_wait3A_36 = arith.constant 0 : i32
    %dma_wait3A_37 = tpu.memref_slice %arg7[%dma_wait3A_35, %dma_wait3A_36] : memref<4x128xi32, #tpu.memory_space<vmem>> -> memref<1x128xi32, #tpu.memory_space<vmem>>
    %dma_wait3A_38 = tpu.memref_squeeze %dma_wait3A_37 : memref<1x128xi32, #tpu.memory_space<vmem>> -> memref<128xi32, #tpu.memory_space<vmem>>
    %dma_wait3A_39 = arith.constant 0 : i32
    %dma_wait3A_40 = arith.constant 0 : i32
    %dma_wait3A_41 = tpu.memref_slice %arg2[%dma_wait3A_39, %dma_wait3A_40] : memref<8192x256xf32, #tpu.memory_space<hbm>> -> memref<8192x256xf32, #tpu.memory_space<hbm>>
    tpu.wait_indirect_dma semaphore(%arg11 : memref<!tpu.dma_semaphore, #tpu.memory_space<semaphore_mem>>) src(%dma_wait3A_41 : memref<8192x256xf32, #tpu.memory_space<hbm>>) dst(%arg8 : memref<128x256xf32, #tpu.memory_space<vmem>>)
    %add3A_42 = arith.constant 128 : i32
    %add3A_43 = arith.addi %mul3A_2, %add3A_42 : i32
    "tpu.region"() ({
      %run_scoped3A_134 = tpu.sem_alloc : memref<!tpu.dma_semaphore, #tpu.memory_space<semaphore_mem>>
      %dma_start3A_135 = arith.constant 0 : i32
      %dma_start3A_136 = tpu.memref_slice %arg5[%add3A_43, %dma_start3A_135] : memref<16384x256xf32, #tpu.memory_space<hbm>> -> memref<128x256xf32, #tpu.memory_space<hbm>>
      %dma_start3A_137 = arith.constant 0 : i32
      %dma_start3A_138 = tpu.memref_slice %arg5[%add3A_43, %dma_start3A_137] : memref<16384x256xf32, #tpu.memory_space<hbm>> -> memref<128x256xf32, #tpu.memory_space<hbm>>
      tpu.enqueue_dma source(%arg8 : memref<128x256xf32, #tpu.memory_space<vmem>>) target(%dma_start3A_138 : memref<128x256xf32, #tpu.memory_space<hbm>>) target_semaphore(%run_scoped3A_134 : memref<!tpu.dma_semaphore, #tpu.memory_space<semaphore_mem>>)
      %dma_wait3A_139 = arith.constant 0 : i32
      %dma_wait3A_140 = tpu.memref_slice %arg5[%add3A_43, %dma_wait3A_139] : memref<16384x256xf32, #tpu.memory_space<hbm>> -> memref<128x256xf32, #tpu.memory_space<hbm>>
      %dma_wait3A_141 = arith.constant 0 : i32
      %dma_wait3A_142 = tpu.memref_slice %arg5[%add3A_43, %dma_wait3A_141] : memref<16384x256xf32, #tpu.memory_space<hbm>> -> memref<128x256xf32, #tpu.memory_space<hbm>>
      tpu.wait_dma2 semaphore(%run_scoped3A_134 : memref<!tpu.dma_semaphore, #tpu.memory_space<semaphore_mem>>) src(%arg8 : memref<128x256xf32, #tpu.memory_space<vmem>>) dst(%dma_wait3A_142 : memref<128x256xf32, #tpu.memory_space<hbm>>)
      tpu.yield
    }) : () -> ()
    %dma_start3A_44 = arith.constant 2 : i32
    %dma_start3A_45 = arith.constant 0 : i32
    %dma_start3A_46 = tpu.memref_slice %arg7[%dma_start3A_44, %dma_start3A_45] : memref<4x128xi32, #tpu.memory_space<vmem>> -> memref<1x128xi32, #tpu.memory_space<vmem>>
    %dma_start3A_47 = tpu.memref_squeeze %dma_start3A_46 : memref<1x128xi32, #tpu.memory_space<vmem>> -> memref<128xi32, #tpu.memory_space<vmem>>
    %dma_start3A_48 = arith.constant 0 : i32
    %dma_start3A_49 = arith.constant 0 : i32
    %dma_start3A_50 = tpu.memref_slice %arg2[%dma_start3A_48, %dma_start3A_49] : memref<8192x256xf32, #tpu.memory_space<hbm>> -> memref<8192x256xf32, #tpu.memory_space<hbm>>
    tpu.enqueue_indirect_dma source(%dma_start3A_50 : memref<8192x256xf32, #tpu.memory_space<hbm>>) target(%arg8 : memref<128x256xf32, #tpu.memory_space<vmem>>) offsets(%dma_start3A_47 : memref<128xi32, #tpu.memory_space<vmem>>) semaphore(%arg11 : memref<!tpu.dma_semaphore, #tpu.memory_space<semaphore_mem>>)
    %dma_wait3A_51 = arith.constant 2 : i32
    %dma_wait3A_52 = arith.constant 0 : i32
    %dma_wait3A_53 = tpu.memref_slice %arg7[%dma_wait3A_51, %dma_wait3A_52] : memref<4x128xi32, #tpu.memory_space<vmem>> -> memref<1x128xi32, #tpu.memory_space<vmem>>
    %dma_wait3A_54 = tpu.memref_squeeze %dma_wait3A_53 : memref<1x128xi32, #tpu.memory_space<vmem>> -> memref<128xi32, #tpu.memory_space<vmem>>
    %dma_wait3A_55 = arith.constant 0 : i32
    %dma_wait3A_56 = arith.constant 0 : i32
    %dma_wait3A_57 = tpu.memref_slice %arg2[%dma_wait3A_55, %dma_wait3A_56] : memref<8192x256xf32, #tpu.memory_space<hbm>> -> memref<8192x256xf32, #tpu.memory_space<hbm>>
    tpu.wait_indirect_dma semaphore(%arg11 : memref<!tpu.dma_semaphore, #tpu.memory_space<semaphore_mem>>) src(%dma_wait3A_57 : memref<8192x256xf32, #tpu.memory_space<hbm>>) dst(%arg8 : memref<128x256xf32, #tpu.memory_space<vmem>>)
    %add3A_58 = arith.constant 256 : i32
    %add3A_59 = arith.addi %mul3A_2, %add3A_58 : i32
    "tpu.region"() ({
      %run_scoped3A_134 = tpu.sem_alloc : memref<!tpu.dma_semaphore, #tpu.memory_space<semaphore_mem>>
      %dma_start3A_135 = arith.constant 0 : i32
      %dma_start3A_136 = tpu.memref_slice %arg5[%add3A_59, %dma_start3A_135] : memref<16384x256xf32, #tpu.memory_space<hbm>> -> memref<128x256xf32, #tpu.memory_space<hbm>>
      %dma_start3A_137 = arith.constant 0 : i32
      %dma_start3A_138 = tpu.memref_slice %arg5[%add3A_59, %dma_start3A_137] : memref<16384x256xf32, #tpu.memory_space<hbm>> -> memref<128x256xf32, #tpu.memory_space<hbm>>
      tpu.enqueue_dma source(%arg8 : memref<128x256xf32, #tpu.memory_space<vmem>>) target(%dma_start3A_138 : memref<128x256xf32, #tpu.memory_space<hbm>>) target_semaphore(%run_scoped3A_134 : memref<!tpu.dma_semaphore, #tpu.memory_space<semaphore_mem>>)
      %dma_wait3A_139 = arith.constant 0 : i32
      %dma_wait3A_140 = tpu.memref_slice %arg5[%add3A_59, %dma_wait3A_139] : memref<16384x256xf32, #tpu.memory_space<hbm>> -> memref<128x256xf32, #tpu.memory_space<hbm>>
      %dma_wait3A_141 = arith.constant 0 : i32
      %dma_wait3A_142 = tpu.memref_slice %arg5[%add3A_59, %dma_wait3A_141] : memref<16384x256xf32, #tpu.memory_space<hbm>> -> memref<128x256xf32, #tpu.memory_space<hbm>>
      tpu.wait_dma2 semaphore(%run_scoped3A_134 : memref<!tpu.dma_semaphore, #tpu.memory_space<semaphore_mem>>) src(%arg8 : memref<128x256xf32, #tpu.memory_space<vmem>>) dst(%dma_wait3A_142 : memref<128x256xf32, #tpu.memory_space<hbm>>)
      tpu.yield
    }) : () -> ()
    %dma_start3A_60 = arith.constant 3 : i32
    %dma_start3A_61 = arith.constant 0 : i32
    %dma_start3A_62 = tpu.memref_slice %arg7[%dma_start3A_60, %dma_start3A_61] : memref<4x128xi32, #tpu.memory_space<vmem>> -> memref<1x128xi32, #tpu.memory_space<vmem>>
    %dma_start3A_63 = tpu.memref_squeeze %dma_start3A_62 : memref<1x128xi32, #tpu.memory_space<vmem>> -> memref<128xi32, #tpu.memory_space<vmem>>
    %dma_start3A_64 = arith.constant 0 : i32
    %dma_start3A_65 = arith.constant 0 : i32
    %dma_start3A_66 = tpu.memref_slice %arg2[%dma_start3A_64, %dma_start3A_65] : memref<8192x256xf32, #tpu.memory_space<hbm>> -> memref<8192x256xf32, #tpu.memory_space<hbm>>
    tpu.enqueue_indirect_dma source(%dma_start3A_66 : memref<8192x256xf32, #tpu.memory_space<hbm>>) target(%arg8 : memref<128x256xf32, #tpu.memory_space<vmem>>) offsets(%dma_start3A_63 : memref<128xi32, #tpu.memory_space<vmem>>) semaphore(%arg11 : memref<!tpu.dma_semaphore, #tpu.memory_space<semaphore_mem>>)
    %dma_wait3A_67 = arith.constant 3 : i32
    %dma_wait3A_68 = arith.constant 0 : i32
    %dma_wait3A_69 = tpu.memref_slice %arg7[%dma_wait3A_67, %dma_wait3A_68] : memref<4x128xi32, #tpu.memory_space<vmem>> -> memref<1x128xi32, #tpu.memory_space<vmem>>
    %dma_wait3A_70 = tpu.memref_squeeze %dma_wait3A_69 : memref<1x128xi32, #tpu.memory_space<vmem>> -> memref<128xi32, #tpu.memory_space<vmem>>
    %dma_wait3A_71 = arith.constant 0 : i32
    %dma_wait3A_72 = arith.constant 0 : i32
    %dma_wait3A_73 = tpu.memref_slice %arg2[%dma_wait3A_71, %dma_wait3A_72] : memref<8192x256xf32, #tpu.memory_space<hbm>> -> memref<8192x256xf32, #tpu.memory_space<hbm>>
    tpu.wait_indirect_dma semaphore(%arg11 : memref<!tpu.dma_semaphore, #tpu.memory_space<semaphore_mem>>) src(%dma_wait3A_73 : memref<8192x256xf32, #tpu.memory_space<hbm>>) dst(%arg8 : memref<128x256xf32, #tpu.memory_space<vmem>>)
    %add3A_74 = arith.constant 384 : i32
    %add3A_75 = arith.addi %mul3A_2, %add3A_74 : i32
    "tpu.region"() ({
      %run_scoped3A_134 = tpu.sem_alloc : memref<!tpu.dma_semaphore, #tpu.memory_space<semaphore_mem>>
      %dma_start3A_135 = arith.constant 0 : i32
      %dma_start3A_136 = tpu.memref_slice %arg5[%add3A_75, %dma_start3A_135] : memref<16384x256xf32, #tpu.memory_space<hbm>> -> memref<128x256xf32, #tpu.memory_space<hbm>>
      %dma_start3A_137 = arith.constant 0 : i32
      %dma_start3A_138 = tpu.memref_slice %arg5[%add3A_75, %dma_start3A_137] : memref<16384x256xf32, #tpu.memory_space<hbm>> -> memref<128x256xf32, #tpu.memory_space<hbm>>
      tpu.enqueue_dma source(%arg8 : memref<128x256xf32, #tpu.memory_space<vmem>>) target(%dma_start3A_138 : memref<128x256xf32, #tpu.memory_space<hbm>>) target_semaphore(%run_scoped3A_134 : memref<!tpu.dma_semaphore, #tpu.memory_space<semaphore_mem>>)
      %dma_wait3A_139 = arith.constant 0 : i32
      %dma_wait3A_140 = tpu.memref_slice %arg5[%add3A_75, %dma_wait3A_139] : memref<16384x256xf32, #tpu.memory_space<hbm>> -> memref<128x256xf32, #tpu.memory_space<hbm>>
      %dma_wait3A_141 = arith.constant 0 : i32
      %dma_wait3A_142 = tpu.memref_slice %arg5[%add3A_75, %dma_wait3A_141] : memref<16384x256xf32, #tpu.memory_space<hbm>> -> memref<128x256xf32, #tpu.memory_space<hbm>>
      tpu.wait_dma2 semaphore(%run_scoped3A_134 : memref<!tpu.dma_semaphore, #tpu.memory_space<semaphore_mem>>) src(%arg8 : memref<128x256xf32, #tpu.memory_space<vmem>>) dst(%dma_wait3A_142 : memref<128x256xf32, #tpu.memory_space<hbm>>)
      tpu.yield
    }) : () -> ()
    %broadcast_in_dim3A = arith.constant 1.000000e+00 : f32
    %broadcast_in_dim3A_76 = vector.broadcast %broadcast_in_dim3A : f32 to vector<16xf32>
    %swap3A = arith.constant 0 : index
    %swap3A_77 = tpu.vector_load %arg9[%swap3A] {strides = array<i32>} : memref<128xf32, #tpu.memory_space<vmem>>, vector<16xf32>,
    %swap3A_78 = vector.shape_cast %swap3A_77 : vector<16xf32> to vector<16xf32>
    %swap3A_79 = vector.shape_cast %broadcast_in_dim3A_76 : vector<16xf32> to vector<16xf32>
    tpu.vector_store %arg9[%swap3A], %swap3A_79 {strides = array<i32>} : memref<128xf32, #tpu.memory_space<vmem>>, vector<16xf32>,
    %broadcast_in_dim3A_80 = arith.constant 1.000000e+00 : f32
    %broadcast_in_dim3A_81 = vector.broadcast %broadcast_in_dim3A_80 : f32 to vector<16xf32>
    %swap3A_82 = arith.constant 16 : index
    %swap3A_83 = tpu.vector_load %arg9[%swap3A_82] {strides = array<i32>} : memref<128xf32, #tpu.memory_space<vmem>>, vector<16xf32>,
    %swap3A_84 = vector.shape_cast %swap3A_83 : vector<16xf32> to vector<16xf32>
    %swap3A_85 = vector.shape_cast %broadcast_in_dim3A_81 : vector<16xf32> to vector<16xf32>
    tpu.vector_store %arg9[%swap3A_82], %swap3A_85 {strides = array<i32>} : memref<128xf32, #tpu.memory_space<vmem>>, vector<16xf32>,
    %broadcast_in_dim3A_86 = arith.constant 1.000000e+00 : f32
    %broadcast_in_dim3A_87 = vector.broadcast %broadcast_in_dim3A_86 : f32 to vector<16xf32>
    %swap3A_88 = arith.constant 32 : index
    %swap3A_89 = tpu.vector_load %arg9[%swap3A_88] {strides = array<i32>} : memref<128xf32, #tpu.memory_space<vmem>>, vector<16xf32>,
    %swap3A_90 = vector.shape_cast %swap3A_89 : vector<16xf32> to vector<16xf32>
    %swap3A_91 = vector.shape_cast %broadcast_in_dim3A_87 : vector<16xf32> to vector<16xf32>
    tpu.vector_store %arg9[%swap3A_88], %swap3A_91 {strides = array<i32>} : memref<128xf32, #tpu.memory_space<vmem>>, vector<16xf32>,
    %broadcast_in_dim3A_92 = arith.constant 1.000000e+00 : f32
    %broadcast_in_dim3A_93 = vector.broadcast %broadcast_in_dim3A_92 : f32 to vector<16xf32>
    %swap3A_94 = arith.constant 48 : index
    %swap3A_95 = tpu.vector_load %arg9[%swap3A_94] {strides = array<i32>} : memref<128xf32, #tpu.memory_space<vmem>>, vector<16xf32>,
    %swap3A_96 = vector.shape_cast %swap3A_95 : vector<16xf32> to vector<16xf32>
    %swap3A_97 = vector.shape_cast %broadcast_in_dim3A_93 : vector<16xf32> to vector<16xf32>
    tpu.vector_store %arg9[%swap3A_94], %swap3A_97 {strides = array<i32>} : memref<128xf32, #tpu.memory_space<vmem>>, vector<16xf32>,
    %broadcast_in_dim3A_98 = arith.constant 1.000000e+00 : f32
    %broadcast_in_dim3A_99 = vector.broadcast %broadcast_in_dim3A_98 : f32 to vector<16xf32>
    %swap3A_100 = arith.constant 64 : index
    %swap3A_101 = tpu.vector_load %arg9[%swap3A_100] {strides = array<i32>} : memref<128xf32, #tpu.memory_space<vmem>>, vector<16xf32>,
    %swap3A_102 = vector.shape_cast %swap3A_101 : vector<16xf32> to vector<16xf32>
    %swap3A_103 = vector.shape_cast %broadcast_in_dim3A_99 : vector<16xf32> to vector<16xf32>
    tpu.vector_store %arg9[%swap3A_100], %swap3A_103 {strides = array<i32>} : memref<128xf32, #tpu.memory_space<vmem>>, vector<16xf32>,
    %broadcast_in_dim3A_104 = arith.constant 1.000000e+00 : f32
    %broadcast_in_dim3A_105 = vector.broadcast %broadcast_in_dim3A_104 : f32 to vector<16xf32>
    %swap3A_106 = arith.constant 80 : index
    %swap3A_107 = tpu.vector_load %arg9[%swap3A_106] {strides = array<i32>} : memref<128xf32, #tpu.memory_space<vmem>>, vector<16xf32>,
    %swap3A_108 = vector.shape_cast %swap3A_107 : vector<16xf32> to vector<16xf32>
    %swap3A_109 = vector.shape_cast %broadcast_in_dim3A_105 : vector<16xf32> to vector<16xf32>
    tpu.vector_store %arg9[%swap3A_106], %swap3A_109 {strides = array<i32>} : memref<128xf32, #tpu.memory_space<vmem>>, vector<16xf32>,
    %broadcast_in_dim3A_110 = arith.constant 1.000000e+00 : f32
    %broadcast_in_dim3A_111 = vector.broadcast %broadcast_in_dim3A_110 : f32 to vector<16xf32>
    %swap3A_112 = arith.constant 96 : index
    %swap3A_113 = tpu.vector_load %arg9[%swap3A_112] {strides = array<i32>} : memref<128xf32, #tpu.memory_space<vmem>>, vector<16xf32>,
    %swap3A_114 = vector.shape_cast %swap3A_113 : vector<16xf32> to vector<16xf32>
    %swap3A_115 = vector.shape_cast %broadcast_in_dim3A_111 : vector<16xf32> to vector<16xf32>
    tpu.vector_store %arg9[%swap3A_112], %swap3A_115 {strides = array<i32>} : memref<128xf32, #tpu.memory_space<vmem>>, vector<16xf32>,
    %broadcast_in_dim3A_116 = arith.constant 1.000000e+00 : f32
    %broadcast_in_dim3A_117 = vector.broadcast %broadcast_in_dim3A_116 : f32 to vector<16xf32>
    %swap3A_118 = arith.constant 112 : index
    %swap3A_119 = tpu.vector_load %arg9[%swap3A_118] {strides = array<i32>} : memref<128xf32, #tpu.memory_space<vmem>>, vector<16xf32>,
    %swap3A_120 = vector.shape_cast %swap3A_119 : vector<16xf32> to vector<16xf32>
    %swap3A_121 = vector.shape_cast %broadcast_in_dim3A_117 : vector<16xf32> to vector<16xf32>
    tpu.vector_store %arg9[%swap3A_118], %swap3A_121 {strides = array<i32>} : memref<128xf32, #tpu.memory_space<vmem>>, vector<16xf32>,
    %eq3A = arith.constant 0 : i32
    %eq3A_122 = arith.cmpi eq, %arg1, %eq3A : i32
    %convert_element_type3A = arith.extui %eq3A_122 : i1 to i32
    %cond3A = arith.constant 0 : i32
    %cond3A_123 = arith.cmpi ne, %convert_element_type3A, %cond3A : i32
    scf.if %cond3A_123 {
      "tpu.region"() ({
        %run_scoped3A_134 = tpu.sem_alloc : memref<!tpu.dma_semaphore, #tpu.memory_space<semaphore_mem>>
        %dma_start3A_135 = arith.constant 0 : i32
        %dma_start3A_136 = tpu.memref_slice %arg4[%arg0, %dma_start3A_135] : memref<2x8192xf32, #tpu.memory_space<hbm>> -> memref<1x8192xf32, #tpu.memory_space<hbm>>
        %dma_start3A_137 = tpu.memref_squeeze %dma_start3A_136 : memref<1x8192xf32, #tpu.memory_space<hbm>> -> memref<8192xf32, #tpu.memory_space<hbm>>
        tpu.enqueue_dma source(%dma_start3A_137 : memref<8192xf32, #tpu.memory_space<hbm>>) target(%arg10 : memref<8192xf32, #tpu.memory_space<vmem_shared>>) target_semaphore(%run_scoped3A_134 : memref<!tpu.dma_semaphore, #tpu.memory_space<semaphore_mem>>)
        %dma_wait3A_138 = arith.constant 0 : i32
        %dma_wait3A_139 = tpu.memref_slice %arg4[%arg0, %dma_wait3A_138] : memref<2x8192xf32, #tpu.memory_space<hbm>> -> memref<1x8192xf32, #tpu.memory_space<hbm>>
        %dma_wait3A_140 = tpu.memref_squeeze %dma_wait3A_139 : memref<1x8192xf32, #tpu.memory_space<hbm>> -> memref<8192xf32, #tpu.memory_space<hbm>>
        tpu.wait_dma2 semaphore(%run_scoped3A_134 : memref<!tpu.dma_semaphore, #tpu.memory_space<semaphore_mem>>) src(%dma_wait3A_140 : memref<8192xf32, #tpu.memory_space<hbm>>) dst(%arg10 : memref<8192xf32, #tpu.memory_space<vmem_shared>>)
        tpu.yield
      }) : () -> ()
    } else {
    }
    %barrier3A = arith.constant 0 : index
    tpu.barrier barrier_id(%barrier3A)
    %run_scoped3A_124 = arith.constant 0 : i32
    "tpu.region"() ({
      %run_scoped3A_134 = tpu.sem_alloc : memref<!tpu.dma_semaphore, #tpu.memory_space<semaphore_mem>>
      %dma_start3A_135 = arith.constant 0 : i32
      %dma_start3A_136 = tpu.memref_slice %arg7[%run_scoped3A_124, %dma_start3A_135] : memref<4x128xi32, #tpu.memory_space<vmem>> -> memref<1x128xi32, #tpu.memory_space<vmem>>
      %dma_start3A_137 = tpu.memref_squeeze %dma_start3A_136 : memref<1x128xi32, #tpu.memory_space<vmem>> -> memref<128xi32, #tpu.memory_space<vmem>>
      %dma_start3A_138 = arith.constant 0 : i32
      %dma_start3A_139 = tpu.memref_slice %arg10[%dma_start3A_138] : memref<8192xf32, #tpu.memory_space<vmem_shared>> -> memref<8192xf32, #tpu.memory_space<vmem_shared>>
      tpu.enqueue_indirect_dma source(%arg9 : memref<128xf32, #tpu.memory_space<vmem>>) target(%dma_start3A_139 : memref<8192xf32, #tpu.memory_space<vmem_shared>>) offsets(%dma_start3A_137 : memref<128xi32, #tpu.memory_space<vmem>>) semaphore(%run_scoped3A_134 : memref<!tpu.dma_semaphore, #tpu.memory_space<semaphore_mem>>) {add = true}
      %dma_wait3A_140 = arith.constant 0 : i32
      %dma_wait3A_141 = tpu.memref_slice %arg7[%run_scoped3A_124, %dma_wait3A_140] : memref<4x128xi32, #tpu.memory_space<vmem>> -> memref<1x128xi32, #tpu.memory_space<vmem>>
      %dma_wait3A_142 = tpu.memref_squeeze %dma_wait3A_141 : memref<1x128xi32, #tpu.memory_space<vmem>> -> memref<128xi32, #tpu.memory_space<vmem>>
      %dma_wait3A_143 = arith.constant 0 : i32
      %dma_wait3A_144 = tpu.memref_slice %arg10[%dma_wait3A_143] : memref<8192xf32, #tpu.memory_space<vmem_shared>> -> memref<8192xf32, #tpu.memory_space<vmem_shared>>
      tpu.wait_indirect_dma semaphore(%run_scoped3A_134 : memref<!tpu.dma_semaphore, #tpu.memory_space<semaphore_mem>>) src(%arg9 : memref<128xf32, #tpu.memory_space<vmem>>) dst(%dma_wait3A_144 : memref<8192xf32, #tpu.memory_space<vmem_shared>>)
      tpu.yield
    }) : () -> ()
    %run_scoped3A_125 = arith.constant 1 : i32
    "tpu.region"() ({
      %run_scoped3A_134 = tpu.sem_alloc : memref<!tpu.dma_semaphore, #tpu.memory_space<semaphore_mem>>
      %dma_start3A_135 = arith.constant 0 : i32
      %dma_start3A_136 = tpu.memref_slice %arg7[%run_scoped3A_125, %dma_start3A_135] : memref<4x128xi32, #tpu.memory_space<vmem>> -> memref<1x128xi32, #tpu.memory_space<vmem>>
      %dma_start3A_137 = tpu.memref_squeeze %dma_start3A_136 : memref<1x128xi32, #tpu.memory_space<vmem>> -> memref<128xi32, #tpu.memory_space<vmem>>
      %dma_start3A_138 = arith.constant 0 : i32
      %dma_start3A_139 = tpu.memref_slice %arg10[%dma_start3A_138] : memref<8192xf32, #tpu.memory_space<vmem_shared>> -> memref<8192xf32, #tpu.memory_space<vmem_shared>>
      tpu.enqueue_indirect_dma source(%arg9 : memref<128xf32, #tpu.memory_space<vmem>>) target(%dma_start3A_139 : memref<8192xf32, #tpu.memory_space<vmem_shared>>) offsets(%dma_start3A_137 : memref<128xi32, #tpu.memory_space<vmem>>) semaphore(%run_scoped3A_134 : memref<!tpu.dma_semaphore, #tpu.memory_space<semaphore_mem>>) {add = true}
      %dma_wait3A_140 = arith.constant 0 : i32
      %dma_wait3A_141 = tpu.memref_slice %arg7[%run_scoped3A_125, %dma_wait3A_140] : memref<4x128xi32, #tpu.memory_space<vmem>> -> memref<1x128xi32, #tpu.memory_space<vmem>>
      %dma_wait3A_142 = tpu.memref_squeeze %dma_wait3A_141 : memref<1x128xi32, #tpu.memory_space<vmem>> -> memref<128xi32, #tpu.memory_space<vmem>>
      %dma_wait3A_143 = arith.constant 0 : i32
      %dma_wait3A_144 = tpu.memref_slice %arg10[%dma_wait3A_143] : memref<8192xf32, #tpu.memory_space<vmem_shared>> -> memref<8192xf32, #tpu.memory_space<vmem_shared>>
      tpu.wait_indirect_dma semaphore(%run_scoped3A_134 : memref<!tpu.dma_semaphore, #tpu.memory_space<semaphore_mem>>) src(%arg9 : memref<128xf32, #tpu.memory_space<vmem>>) dst(%dma_wait3A_144 : memref<8192xf32, #tpu.memory_space<vmem_shared>>)
      tpu.yield
    }) : () -> ()
    %run_scoped3A_126 = arith.constant 2 : i32
    "tpu.region"() ({
      %run_scoped3A_134 = tpu.sem_alloc : memref<!tpu.dma_semaphore, #tpu.memory_space<semaphore_mem>>
      %dma_start3A_135 = arith.constant 0 : i32
      %dma_start3A_136 = tpu.memref_slice %arg7[%run_scoped3A_126, %dma_start3A_135] : memref<4x128xi32, #tpu.memory_space<vmem>> -> memref<1x128xi32, #tpu.memory_space<vmem>>
      %dma_start3A_137 = tpu.memref_squeeze %dma_start3A_136 : memref<1x128xi32, #tpu.memory_space<vmem>> -> memref<128xi32, #tpu.memory_space<vmem>>
      %dma_start3A_138 = arith.constant 0 : i32
      %dma_start3A_139 = tpu.memref_slice %arg10[%dma_start3A_138] : memref<8192xf32, #tpu.memory_space<vmem_shared>> -> memref<8192xf32, #tpu.memory_space<vmem_shared>>
      tpu.enqueue_indirect_dma source(%arg9 : memref<128xf32, #tpu.memory_space<vmem>>) target(%dma_start3A_139 : memref<8192xf32, #tpu.memory_space<vmem_shared>>) offsets(%dma_start3A_137 : memref<128xi32, #tpu.memory_space<vmem>>) semaphore(%run_scoped3A_134 : memref<!tpu.dma_semaphore, #tpu.memory_space<semaphore_mem>>) {add = true}
      %dma_wait3A_140 = arith.constant 0 : i32
      %dma_wait3A_141 = tpu.memref_slice %arg7[%run_scoped3A_126, %dma_wait3A_140] : memref<4x128xi32, #tpu.memory_space<vmem>> -> memref<1x128xi32, #tpu.memory_space<vmem>>
      %dma_wait3A_142 = tpu.memref_squeeze %dma_wait3A_141 : memref<1x128xi32, #tpu.memory_space<vmem>> -> memref<128xi32, #tpu.memory_space<vmem>>
      %dma_wait3A_143 = arith.constant 0 : i32
      %dma_wait3A_144 = tpu.memref_slice %arg10[%dma_wait3A_143] : memref<8192xf32, #tpu.memory_space<vmem_shared>> -> memref<8192xf32, #tpu.memory_space<vmem_shared>>
      tpu.wait_indirect_dma semaphore(%run_scoped3A_134 : memref<!tpu.dma_semaphore, #tpu.memory_space<semaphore_mem>>) src(%arg9 : memref<128xf32, #tpu.memory_space<vmem>>) dst(%dma_wait3A_144 : memref<8192xf32, #tpu.memory_space<vmem_shared>>)
      tpu.yield
    }) : () -> ()
    %run_scoped3A_127 = arith.constant 3 : i32
    "tpu.region"() ({
      %run_scoped3A_134 = tpu.sem_alloc : memref<!tpu.dma_semaphore, #tpu.memory_space<semaphore_mem>>
      %dma_start3A_135 = arith.constant 0 : i32
      %dma_start3A_136 = tpu.memref_slice %arg7[%run_scoped3A_127, %dma_start3A_135] : memref<4x128xi32, #tpu.memory_space<vmem>> -> memref<1x128xi32, #tpu.memory_space<vmem>>
      %dma_start3A_137 = tpu.memref_squeeze %dma_start3A_136 : memref<1x128xi32, #tpu.memory_space<vmem>> -> memref<128xi32, #tpu.memory_space<vmem>>
      %dma_start3A_138 = arith.constant 0 : i32
      %dma_start3A_139 = tpu.memref_slice %arg10[%dma_start3A_138] : memref<8192xf32, #tpu.memory_space<vmem_shared>> -> memref<8192xf32, #tpu.memory_space<vmem_shared>>
      tpu.enqueue_indirect_dma source(%arg9 : memref<128xf32, #tpu.memory_space<vmem>>) target(%dma_start3A_139 : memref<8192xf32, #tpu.memory_space<vmem_shared>>) offsets(%dma_start3A_137 : memref<128xi32, #tpu.memory_space<vmem>>) semaphore(%run_scoped3A_134 : memref<!tpu.dma_semaphore, #tpu.memory_space<semaphore_mem>>) {add = true}
      %dma_wait3A_140 = arith.constant 0 : i32
      %dma_wait3A_141 = tpu.memref_slice %arg7[%run_scoped3A_127, %dma_wait3A_140] : memref<4x128xi32, #tpu.memory_space<vmem>> -> memref<1x128xi32, #tpu.memory_space<vmem>>
      %dma_wait3A_142 = tpu.memref_squeeze %dma_wait3A_141 : memref<1x128xi32, #tpu.memory_space<vmem>> -> memref<128xi32, #tpu.memory_space<vmem>>
      %dma_wait3A_143 = arith.constant 0 : i32
      %dma_wait3A_144 = tpu.memref_slice %arg10[%dma_wait3A_143] : memref<8192xf32, #tpu.memory_space<vmem_shared>> -> memref<8192xf32, #tpu.memory_space<vmem_shared>>
      tpu.wait_indirect_dma semaphore(%run_scoped3A_134 : memref<!tpu.dma_semaphore, #tpu.memory_space<semaphore_mem>>) src(%arg9 : memref<128xf32, #tpu.memory_space<vmem>>) dst(%dma_wait3A_144 : memref<8192xf32, #tpu.memory_space<vmem_shared>>)
      tpu.yield
    }) : () -> ()
    %barrier3A_128 = arith.constant 0 : index
    tpu.barrier barrier_id(%barrier3A_128)
    %eq3A_129 = arith.constant 0 : i32
    %eq3A_130 = arith.cmpi eq, %arg1, %eq3A_129 : i32
    %convert_element_type3A_131 = arith.extui %eq3A_130 : i1 to i32
    %cond3A_132 = arith.constant 0 : i32
    %cond3A_133 = arith.cmpi ne, %convert_element_type3A_131, %cond3A_132 : i32
    scf.if %cond3A_133 {
      "tpu.region"() ({
        %run_scoped3A_134 = tpu.sem_alloc : memref<!tpu.dma_semaphore, #tpu.memory_space<semaphore_mem>>
        %dma_start3A_135 = arith.constant 0 : i32
        %dma_start3A_136 = tpu.memref_slice %arg6[%arg0, %dma_start3A_135] : memref<2x8192xf32, #tpu.memory_space<hbm>> -> memref<1x8192xf32, #tpu.memory_space<hbm>>
        %dma_start3A_137 = tpu.memref_squeeze %dma_start3A_136 : memref<1x8192xf32, #tpu.memory_space<hbm>> -> memref<8192xf32, #tpu.memory_space<hbm>>
        tpu.enqueue_dma source(%arg10 : memref<8192xf32, #tpu.memory_space<vmem_shared>>) target(%dma_start3A_137 : memref<8192xf32, #tpu.memory_space<hbm>>) target_semaphore(%run_scoped3A_134 : memref<!tpu.dma_semaphore, #tpu.memory_space<semaphore_mem>>)
        %dma_wait3A_138 = arith.constant 0 : i32
        %dma_wait3A_139 = tpu.memref_slice %arg6[%arg0, %dma_wait3A_138] : memref<2x8192xf32, #tpu.memory_space<hbm>> -> memref<1x8192xf32, #tpu.memory_space<hbm>>
        %dma_wait3A_140 = tpu.memref_squeeze %dma_wait3A_139 : memref<1x8192xf32, #tpu.memory_space<hbm>> -> memref<8192xf32, #tpu.memory_space<hbm>>
        tpu.wait_dma2 semaphore(%run_scoped3A_134 : memref<!tpu.dma_semaphore, #tpu.memory_space<semaphore_mem>>) src(%arg10 : memref<8192xf32, #tpu.memory_space<vmem_shared>>) dst(%dma_wait3A_140 : memref<8192xf32, #tpu.memory_space<hbm>>)
        tpu.yield
      }) : () -> ()
    } else {
    }
    return
  }
}

module attributes {stable_mosaic.version = 14 : i64} {
  func.func @_dec_body(%arg0: i32, %arg1: memref<512x256xf32, #tpu.memory_space<vmem>>, %arg2: memref<512x256xf32, #tpu.memory_space<vmem>>, %arg3: memref<256x128xf32, #tpu.memory_space<vmem>>, %arg4: memref<1x128xf32, #tpu.memory_space<vmem>>, %arg5: memref<128x1024xf32, #tpu.memory_space<vmem>>, %arg6: memref<1x1024xf32, #tpu.memory_space<vmem>>, %arg7: memref<1024x512xf32, #tpu.memory_space<vmem>>, %arg8: memref<1x512xf32, #tpu.memory_space<vmem>>, %arg9: memref<2x8192xf32, #tpu.memory_space<vmem>>, %arg10: memref<512x512xf32, #tpu.memory_space<vmem>>, %arg11: memref<1x1xf32, #tpu.memory_space<vmem>>, %arg12: memref<1x1xf32, #tpu.memory_space<vmem>>) attributes {dimension_semantics = [#tpu.dimension_semantics<arbitrary>], iteration_bounds = array<i64: 32>, scalar_prefetch = 0 : i64, scratch_operands = 0 : i64, tpu.core_type = #tpu.core_type<tc>, window_params = [{transform_indices = @transform_0, window_bounds = array<i64: 512, 256>}, {transform_indices = @transform_1, window_bounds = array<i64: 512, 256>}, {pipeline_mode = #tpu.pipeline_mode<synchronous>, transform_indices = @transform_2, window_bounds = array<i64: 256, 128>}, {pipeline_mode = #tpu.pipeline_mode<synchronous>, transform_indices = @transform_3, window_bounds = array<i64: 1, 128>}, {pipeline_mode = #tpu.pipeline_mode<synchronous>, transform_indices = @transform_4, window_bounds = array<i64: 128, 1024>}, {pipeline_mode = #tpu.pipeline_mode<synchronous>, transform_indices = @transform_5, window_bounds = array<i64: 1, 1024>}, {pipeline_mode = #tpu.pipeline_mode<synchronous>, transform_indices = @transform_6, window_bounds = array<i64: 1024, 512>}, {pipeline_mode = #tpu.pipeline_mode<synchronous>, transform_indices = @transform_7, window_bounds = array<i64: 1, 512>}, {pipeline_mode = #tpu.pipeline_mode<synchronous>, transform_indices = @transform_8, window_bounds = array<i64: 2, 8192>}, {transform_indices = @transform_9, window_bounds = array<i64: 512, 512>}, {pipeline_mode = #tpu.pipeline_mode<synchronous>, transform_indices = @transform_10, window_bounds = array<i64: 1, 1>}, {pipeline_mode = #tpu.pipeline_mode<synchronous>, transform_indices = @transform_11, window_bounds = array<i64: 1, 1>}]} {
    %eq3A = arith.constant 0 : i32
    %eq3A_0 = arith.cmpi eq, %arg0, %eq3A : i32
    %convert_element_type3A = arith.extui %eq3A_0 : i1 to i32
    %cond3A = arith.constant 0 : i32
    %cond3A_1 = arith.cmpi ne, %convert_element_type3A, %cond3A : i32
    scf.if %cond3A_1 {
      %broadcast_in_dim3A_58 = arith.constant 0.000000e+00 : f32
      %broadcast_in_dim3A_59 = vector.broadcast %broadcast_in_dim3A_58 : f32 to vector<1x1xf32>
      %swap3A_60 = arith.constant 0 : index
      %swap3A_61 = arith.constant 0 : index
      %swap3A_62 = vector.load %arg11[%swap3A_60, %swap3A_61] : memref<1x1xf32, #tpu.memory_space<vmem>>, vector<1x1xf32>
      tpu.vector_store %arg11[%swap3A_60, %swap3A_61], %broadcast_in_dim3A_59 {strides = array<i32>} : memref<1x1xf32, #tpu.memory_space<vmem>>, vector<1x1xf32>,
    } else {
    }
    %get3A = arith.constant 0 : index
    %get3A_2 = arith.constant 0 : index
    %get3A_3 = vector.load %arg1[%get3A, %get3A_2] : memref<512x256xf32, #tpu.memory_space<vmem>>, vector<512x256xf32>
    %get3A_4 = arith.constant 0 : index
    %get3A_5 = arith.constant 0 : index
    %get3A_6 = vector.load %arg2[%get3A_4, %get3A_5] : memref<512x256xf32, #tpu.memory_space<vmem>>, vector<512x256xf32>
    %sub3A = arith.subf %get3A_3, %get3A_6 : vector<512x256xf32>
    %get3A_7 = arith.constant 0 : index
    %get3A_8 = arith.constant 0 : index
    %get3A_9 = vector.load %arg11[%get3A_7, %get3A_8] : memref<1x1xf32, #tpu.memory_space<vmem>>, vector<1x1xf32>
    %mul3A = arith.mulf %sub3A, %sub3A : vector<512x256xf32>
    %reduce_sum3A = vector.shape_cast %mul3A : vector<512x256xf32> to vector<1x512x256xf32>
    %reduce_sum3A_10 = arith.constant dense<0.000000e+00> : vector<1xf32>
    %reduce_sum3A_11 = vector.multi_reduction <add>, %reduce_sum3A, %reduce_sum3A_10 [1, 2] : vector<1x512x256xf32> to vector<1xf32>
    %reduce_sum3A_12 = vector.shape_cast %reduce_sum3A_11 : vector<1xf32> to vector<1x1x1xf32>
    %reduce_sum3A_13 = vector.extract %reduce_sum3A_12[0, 0, 0] : f32 from vector<1x1x1xf32>
    %broadcast_in_dim3A = vector.broadcast %reduce_sum3A_13 : f32 to vector<1x1xf32>
    %add3A = arith.addf %get3A_9, %broadcast_in_dim3A : vector<1x1xf32>
    %swap3A = arith.constant 0 : index
    %swap3A_14 = arith.constant 0 : index
    %swap3A_15 = vector.load %arg11[%swap3A, %swap3A_14] : memref<1x1xf32, #tpu.memory_space<vmem>>, vector<1x1xf32>
    tpu.vector_store %arg11[%swap3A, %swap3A_14], %add3A {strides = array<i32>} : memref<1x1xf32, #tpu.memory_space<vmem>>, vector<1x1xf32>,
    %get3A_16 = arith.constant 0 : index
    %get3A_17 = arith.constant 0 : index
    %get3A_18 = vector.load %arg3[%get3A_16, %get3A_17] : memref<256x128xf32, #tpu.memory_space<vmem>>, vector<256x128xf32>
    %dot_general3A = arith.constant dense<0.000000e+00> : vector<512x128xf32>
    %dot_general3A_19 = tpu.matmul %get3A_3, %get3A_18, %dot_general3A {dimension_numbers = #tpu.dot_dimension_numbers<[1], [0], [0], [1], [0, 0, 1, 1], [], []>, transpose_lhs_hint = false} : vector<512x256xf32>, vector<256x128xf32>, vector<512x128xf32> -> vector<512x128xf32>
    %get3A_20 = arith.constant 0 : index
    %get3A_21 = arith.constant 0 : index
    %get3A_22 = vector.load %arg4[%get3A_20, %get3A_21] : memref<1x128xf32, #tpu.memory_space<vmem>>, vector<1x128xf32>
    %add3A_23 = vector.broadcast %get3A_22 : vector<1x128xf32> to vector<512x128xf32>
    %add3A_24 = arith.addf %dot_general3A_19, %add3A_23 : vector<512x128xf32>
    %max3A = arith.constant 0.000000e+00 : f32
    %max3A_25 = vector.broadcast %max3A : f32 to vector<512x128xf32>
    %max3A_26 = arith.maximumf %add3A_24, %max3A_25 : vector<512x128xf32>
    %get3A_27 = arith.constant 0 : index
    %get3A_28 = arith.constant 0 : index
    %get3A_29 = vector.load %arg5[%get3A_27, %get3A_28] : memref<128x1024xf32, #tpu.memory_space<vmem>>, vector<128x1024xf32>
    %dot_general3A_30 = arith.constant dense<0.000000e+00> : vector<512x1024xf32>
    %dot_general3A_31 = tpu.matmul %max3A_26, %get3A_29, %dot_general3A_30 {dimension_numbers = #tpu.dot_dimension_numbers<[1], [0], [0], [1], [0, 0, 1, 1], [], []>, transpose_lhs_hint = false} : vector<512x128xf32>, vector<128x1024xf32>, vector<512x1024xf32> -> vector<512x1024xf32>
    %get3A_32 = arith.constant 0 : index
    %get3A_33 = arith.constant 0 : index
    %get3A_34 = vector.load %arg6[%get3A_32, %get3A_33] : memref<1x1024xf32, #tpu.memory_space<vmem>>, vector<1x1024xf32>
    %add3A_35 = vector.broadcast %get3A_34 : vector<1x1024xf32> to vector<512x1024xf32>
    %add3A_36 = arith.addf %dot_general3A_31, %add3A_35 : vector<512x1024xf32>
    %max3A_37 = arith.constant 0.000000e+00 : f32
    %max3A_38 = vector.broadcast %max3A_37 : f32 to vector<512x1024xf32>
    %max3A_39 = arith.maximumf %add3A_36, %max3A_38 : vector<512x1024xf32>
    %get3A_40 = arith.constant 0 : index
    %get3A_41 = arith.constant 0 : index
    %get3A_42 = vector.load %arg7[%get3A_40, %get3A_41] : memref<1024x512xf32, #tpu.memory_space<vmem>>, vector<1024x512xf32>
    %dot_general3A_43 = arith.constant dense<0.000000e+00> : vector<512x512xf32>
    %dot_general3A_44 = tpu.matmul %max3A_39, %get3A_42, %dot_general3A_43 {dimension_numbers = #tpu.dot_dimension_numbers<[1], [0], [0], [1], [0, 0, 1, 1], [], []>, transpose_lhs_hint = false} : vector<512x1024xf32>, vector<1024x512xf32>, vector<512x512xf32> -> vector<512x512xf32>
    %get3A_45 = arith.constant 0 : index
    %get3A_46 = arith.constant 0 : index
    %get3A_47 = vector.load %arg8[%get3A_45, %get3A_46] : memref<1x512xf32, #tpu.memory_space<vmem>>, vector<1x512xf32>
    %add3A_48 = vector.broadcast %get3A_47 : vector<1x512xf32> to vector<512x512xf32>
    %add3A_49 = arith.addf %dot_general3A_44, %add3A_48 : vector<512x512xf32>
    %swap3A_50 = arith.constant 0 : index
    %swap3A_51 = arith.constant 0 : index
    %swap3A_52 = vector.load %arg10[%swap3A_50, %swap3A_51] : memref<512x512xf32, #tpu.memory_space<vmem>>, vector<512x512xf32>
    tpu.vector_store %arg10[%swap3A_50, %swap3A_51], %add3A_49 {strides = array<i32>} : memref<512x512xf32, #tpu.memory_space<vmem>>, vector<512x512xf32>,
    %eq3A_53 = arith.constant 31 : i32
    %eq3A_54 = arith.cmpi eq, %arg0, %eq3A_53 : i32
    %convert_element_type3A_55 = arith.extui %eq3A_54 : i1 to i32
    %cond3A_56 = arith.constant 0 : i32
    %cond3A_57 = arith.cmpi ne, %convert_element_type3A_55, %cond3A_56 : i32
    scf.if %cond3A_57 {
      %get3A_58 = arith.constant 0 : index
      %get3A_59 = arith.constant 0 : index
      %get3A_60 = vector.load %arg11[%get3A_58, %get3A_59] : memref<1x1xf32, #tpu.memory_space<vmem>>, vector<1x1xf32>
      %mul3A_61 = arith.constant 2.98023224E-7 : f32
      %mul3A_62 = vector.broadcast %mul3A_61 : f32 to vector<1x1xf32>
      %mul3A_63 = arith.mulf %get3A_60, %mul3A_62 : vector<1x1xf32>
      %swap3A_64 = arith.constant 0 : index
      %swap3A_65 = arith.constant 0 : index
      %swap3A_66 = vector.load %arg11[%swap3A_64, %swap3A_65] : memref<1x1xf32, #tpu.memory_space<vmem>>, vector<1x1xf32>
      tpu.vector_store %arg11[%swap3A_64, %swap3A_65], %mul3A_63 {strides = array<i32>} : memref<1x1xf32, #tpu.memory_space<vmem>>, vector<1x1xf32>,
      %get3A_67 = arith.constant 0 : index
      %get3A_68 = arith.constant 0 : index
      %get3A_69 = vector.load %arg9[%get3A_67, %get3A_68] : memref<2x8192xf32, #tpu.memory_space<vmem>>, vector<1x8192xf32>
      %get3A_70 = arith.constant 1 : index
      %get3A_71 = arith.constant 0 : index
      %get3A_72 = vector.load %arg9[%get3A_70, %get3A_71] : memref<2x8192xf32, #tpu.memory_space<vmem>>, vector<1x8192xf32>
      %add3A_73 = arith.addf %get3A_69, %get3A_72 : vector<1x8192xf32>
      %mul3A_74 = arith.constant 6.10351563E-5 : f32
      %mul3A_75 = vector.broadcast %mul3A_74 : f32 to vector<1x8192xf32>
      %mul3A_76 = arith.mulf %add3A_73, %mul3A_75 : vector<1x8192xf32>
      %add3A_77 = arith.constant 1.000000e-10 : f32
      %add3A_78 = vector.broadcast %add3A_77 : f32 to vector<1x8192xf32>
      %add3A_79 = arith.addf %mul3A_76, %add3A_78 : vector<1x8192xf32>
      %log3A = math.log %add3A_79 : vector<1x8192xf32>
      %mul3A_80 = arith.mulf %mul3A_76, %log3A : vector<1x8192xf32>
      %reduce_sum3A_81 = vector.shape_cast %mul3A_80 : vector<1x8192xf32> to vector<1x1x8192xf32>
      %reduce_sum3A_82 = arith.constant dense<0.000000e+00> : vector<1xf32>
      %reduce_sum3A_83 = vector.multi_reduction <add>, %reduce_sum3A_81, %reduce_sum3A_82 [1, 2] : vector<1x1x8192xf32> to vector<1xf32>
      %reduce_sum3A_84 = vector.shape_cast %reduce_sum3A_83 : vector<1xf32> to vector<1x1x1xf32>
      %reduce_sum3A_85 = vector.extract %reduce_sum3A_84[0, 0, 0] : f32 from vector<1x1x1xf32>
      %broadcast_in_dim3A_86 = vector.broadcast %reduce_sum3A_85 : f32 to vector<1x1xf32>
      %neg3A = arith.constant 0.000000e+00 : f32
      %neg3A_87 = vector.broadcast %neg3A : f32 to vector<1x1xf32>
      %neg3A_88 = arith.subf %neg3A_87, %broadcast_in_dim3A_86 : vector<1x1xf32>
      %exp3A = math.exp %neg3A_88 : vector<1x1xf32>
      %swap3A_89 = arith.constant 0 : index
      %swap3A_90 = arith.constant 0 : index
      %swap3A_91 = vector.load %arg12[%swap3A_89, %swap3A_90] : memref<1x1xf32, #tpu.memory_space<vmem>>, vector<1x1xf32>
      tpu.vector_store %arg12[%swap3A_89, %swap3A_90], %exp3A {strides = array<i32>} : memref<1x1xf32, #tpu.memory_space<vmem>>, vector<1x1xf32>,
    } else {
    }
    return
  }
  func.func @transform_0(%arg0: i32) -> (i32, i32) {
    %c0_i32 = arith.constant 0 : i32
    %c0_i32_0 = arith.constant 0 : i32
    return %arg0, %c0_i32 : i32, i32
  }
  func.func @transform_1(%arg0: i32) -> (i32, i32) {
    %c0_i32 = arith.constant 0 : i32
    %c0_i32_0 = arith.constant 0 : i32
    return %arg0, %c0_i32 : i32, i32
  }
  func.func @transform_2(%arg0: i32) -> (i32, i32) {
    %c0_i32 = arith.constant 0 : i32
    %c0_i32_0 = arith.constant 0 : i32
    %c0_i32_1 = arith.constant 0 : i32
    return %c0_i32, %c0_i32_0 : i32, i32
  }
  func.func @transform_3(%arg0: i32) -> (i32, i32) {
    %c0_i32 = arith.constant 0 : i32
    %c0_i32_0 = arith.constant 0 : i32
    %c0_i32_1 = arith.constant 0 : i32
    return %c0_i32, %c0_i32_0 : i32, i32
  }
  func.func @transform_4(%arg0: i32) -> (i32, i32) {
    %c0_i32 = arith.constant 0 : i32
    %c0_i32_0 = arith.constant 0 : i32
    %c0_i32_1 = arith.constant 0 : i32
    return %c0_i32, %c0_i32_0 : i32, i32
  }
  func.func @transform_5(%arg0: i32) -> (i32, i32) {
    %c0_i32 = arith.constant 0 : i32
    %c0_i32_0 = arith.constant 0 : i32
    %c0_i32_1 = arith.constant 0 : i32
    return %c0_i32, %c0_i32_0 : i32, i32
  }
  func.func @transform_6(%arg0: i32) -> (i32, i32) {
    %c0_i32 = arith.constant 0 : i32
    %c0_i32_0 = arith.constant 0 : i32
    %c0_i32_1 = arith.constant 0 : i32
    return %c0_i32, %c0_i32_0 : i32, i32
  }
  func.func @transform_7(%arg0: i32) -> (i32, i32) {
    %c0_i32 = arith.constant 0 : i32
    %c0_i32_0 = arith.constant 0 : i32
    %c0_i32_1 = arith.constant 0 : i32
    return %c0_i32, %c0_i32_0 : i32, i32
  }
  func.func @transform_8(%arg0: i32) -> (i32, i32) {
    %c0_i32 = arith.constant 0 : i32
    %c0_i32_0 = arith.constant 0 : i32
    %c0_i32_1 = arith.constant 0 : i32
    return %c0_i32, %c0_i32_0 : i32, i32
  }
  func.func @transform_9(%arg0: i32) -> (i32, i32) {
    %c0_i32 = arith.constant 0 : i32
    %c0_i32_0 = arith.constant 0 : i32
    return %arg0, %c0_i32 : i32, i32
  }
  func.func @transform_10(%arg0: i32) -> (i32, i32) {
    %c0_i32 = arith.constant 0 : i32
    %c0_i32_0 = arith.constant 0 : i32
    %c0_i32_1 = arith.constant 0 : i32
    return %c0_i32, %c0_i32_0 : i32, i32
  }
  func.func @transform_11(%arg0: i32) -> (i32, i32) {
    %c0_i32 = arith.constant 0 : i32
    %c0_i32_0 = arith.constant 0 : i32
    %c0_i32_1 = arith.constant 0 : i32
    return %c0_i32, %c0_i32_0 : i32, i32
  }
}

module attributes {stable_mosaic.version = 14 : i64} {
  func.func @_enc_body(%arg0: i32, %arg1: memref<256x512xf32, #tpu.memory_space<vmem>>, %arg2: memref<512x1024xf32, #tpu.memory_space<vmem>>, %arg3: memref<1x1024xf32, #tpu.memory_space<vmem>>, %arg4: memref<1024x128xf32, #tpu.memory_space<vmem>>, %arg5: memref<1x128xf32, #tpu.memory_space<vmem>>, %arg6: memref<128x256xf32, #tpu.memory_space<vmem>>, %arg7: memref<1x256xf32, #tpu.memory_space<vmem>>, %arg8: memref<8192x256xf32, #tpu.memory_space<vmem>>, %arg9: memref<1x8192xf32, #tpu.memory_space<vmem>>, %arg10: memref<256x256xf32, #tpu.memory_space<vmem>>, %arg11: memref<1x1x256xi32, #tpu.memory_space<vmem>>) attributes {dimension_semantics = [#tpu.dimension_semantics<arbitrary>], iteration_bounds = array<i64: 64>, scalar_prefetch = 0 : i64, scratch_operands = 0 : i64, tpu.core_type = #tpu.core_type<tc>, window_params = [{transform_indices = @transform_0, window_bounds = array<i64: 256, 512>}, {pipeline_mode = #tpu.pipeline_mode<synchronous>, transform_indices = @transform_1, window_bounds = array<i64: 512, 1024>}, {pipeline_mode = #tpu.pipeline_mode<synchronous>, transform_indices = @transform_2, window_bounds = array<i64: 1, 1024>}, {pipeline_mode = #tpu.pipeline_mode<synchronous>, transform_indices = @transform_3, window_bounds = array<i64: 1024, 128>}, {pipeline_mode = #tpu.pipeline_mode<synchronous>, transform_indices = @transform_4, window_bounds = array<i64: 1, 128>}, {pipeline_mode = #tpu.pipeline_mode<synchronous>, transform_indices = @transform_5, window_bounds = array<i64: 128, 256>}, {pipeline_mode = #tpu.pipeline_mode<synchronous>, transform_indices = @transform_6, window_bounds = array<i64: 1, 256>}, {pipeline_mode = #tpu.pipeline_mode<synchronous>, transform_indices = @transform_7, window_bounds = array<i64: 8192, 256>}, {pipeline_mode = #tpu.pipeline_mode<synchronous>, transform_indices = @transform_8, window_bounds = array<i64: 1, 8192>}, {transform_indices = @transform_9, window_bounds = array<i64: 256, 256>}, {transform_indices = @transform_10, window_bounds = array<i64: 1, 1, 256>}]} {
    %get3A = arith.constant 0 : index
    %get3A_0 = arith.constant 0 : index
    %get3A_1 = vector.load %arg1[%get3A, %get3A_0] : memref<256x512xf32, #tpu.memory_space<vmem>>, vector<256x512xf32>
    %get3A_2 = arith.constant 0 : index
    %get3A_3 = arith.constant 0 : index
    %get3A_4 = vector.load %arg2[%get3A_2, %get3A_3] : memref<512x1024xf32, #tpu.memory_space<vmem>>, vector<512x1024xf32>
    %dot_general3A = arith.constant dense<0.000000e+00> : vector<256x1024xf32>
    %dot_general3A_5 = tpu.matmul %get3A_1, %get3A_4, %dot_general3A {dimension_numbers = #tpu.dot_dimension_numbers<[1], [0], [0], [1], [0, 0, 1, 1], [], []>, transpose_lhs_hint = false} : vector<256x512xf32>, vector<512x1024xf32>, vector<256x1024xf32> -> vector<256x1024xf32>
    %get3A_6 = arith.constant 0 : index
    %get3A_7 = arith.constant 0 : index
    %get3A_8 = vector.load %arg3[%get3A_6, %get3A_7] : memref<1x1024xf32, #tpu.memory_space<vmem>>, vector<1x1024xf32>
    %add3A = vector.broadcast %get3A_8 : vector<1x1024xf32> to vector<256x1024xf32>
    %add3A_9 = arith.addf %dot_general3A_5, %add3A : vector<256x1024xf32>
    %max3A = arith.constant 0.000000e+00 : f32
    %max3A_10 = vector.broadcast %max3A : f32 to vector<256x1024xf32>
    %max3A_11 = arith.maximumf %add3A_9, %max3A_10 : vector<256x1024xf32>
    %get3A_12 = arith.constant 0 : index
    %get3A_13 = arith.constant 0 : index
    %get3A_14 = vector.load %arg4[%get3A_12, %get3A_13] : memref<1024x128xf32, #tpu.memory_space<vmem>>, vector<1024x128xf32>
    %dot_general3A_15 = arith.constant dense<0.000000e+00> : vector<256x128xf32>
    %dot_general3A_16 = tpu.matmul %max3A_11, %get3A_14, %dot_general3A_15 {dimension_numbers = #tpu.dot_dimension_numbers<[1], [0], [0], [1], [0, 0, 1, 1], [], []>, transpose_lhs_hint = false} : vector<256x1024xf32>, vector<1024x128xf32>, vector<256x128xf32> -> vector<256x128xf32>
    %get3A_17 = arith.constant 0 : index
    %get3A_18 = arith.constant 0 : index
    %get3A_19 = vector.load %arg5[%get3A_17, %get3A_18] : memref<1x128xf32, #tpu.memory_space<vmem>>, vector<1x128xf32>
    %add3A_20 = vector.broadcast %get3A_19 : vector<1x128xf32> to vector<256x128xf32>
    %add3A_21 = arith.addf %dot_general3A_16, %add3A_20 : vector<256x128xf32>
    %max3A_22 = arith.constant 0.000000e+00 : f32
    %max3A_23 = vector.broadcast %max3A_22 : f32 to vector<256x128xf32>
    %max3A_24 = arith.maximumf %add3A_21, %max3A_23 : vector<256x128xf32>
    %get3A_25 = arith.constant 0 : index
    %get3A_26 = arith.constant 0 : index
    %get3A_27 = vector.load %arg6[%get3A_25, %get3A_26] : memref<128x256xf32, #tpu.memory_space<vmem>>, vector<128x256xf32>
    %dot_general3A_28 = arith.constant dense<0.000000e+00> : vector<256x256xf32>
    %dot_general3A_29 = tpu.matmul %max3A_24, %get3A_27, %dot_general3A_28 {dimension_numbers = #tpu.dot_dimension_numbers<[1], [0], [0], [1], [0, 0, 1, 1], [], []>, transpose_lhs_hint = false} : vector<256x128xf32>, vector<128x256xf32>, vector<256x256xf32> -> vector<256x256xf32>
    %get3A_30 = arith.constant 0 : index
    %get3A_31 = arith.constant 0 : index
    %get3A_32 = vector.load %arg7[%get3A_30, %get3A_31] : memref<1x256xf32, #tpu.memory_space<vmem>>, vector<1x256xf32>
    %add3A_33 = vector.broadcast %get3A_32 : vector<1x256xf32> to vector<256x256xf32>
    %add3A_34 = arith.addf %dot_general3A_29, %add3A_33 : vector<256x256xf32>
    %swap3A = arith.constant 0 : index
    %swap3A_35 = arith.constant 0 : index
    %swap3A_36 = vector.load %arg10[%swap3A, %swap3A_35] : memref<256x256xf32, #tpu.memory_space<vmem>>, vector<256x256xf32>
    tpu.vector_store %arg10[%swap3A, %swap3A_35], %add3A_34 {strides = array<i32>} : memref<256x256xf32, #tpu.memory_space<vmem>>, vector<256x256xf32>,
    %get3A_37 = arith.constant 0 : index
    %get3A_38 = arith.constant 0 : index
    %get3A_39 = vector.load %arg8[%get3A_37, %get3A_38] : memref<8192x256xf32, #tpu.memory_space<vmem>>, vector<8192x256xf32>
    %dot_general3A_40 = arith.constant dense<0.000000e+00> : vector<256x8192xf32>
    %dot_general3A_41 = tpu.matmul %add3A_34, %get3A_39, %dot_general3A_40 {dimension_numbers = #tpu.dot_dimension_numbers<[1], [1], [0], [0], [0, 0, 1, 0], [], []>, transpose_lhs_hint = false} : vector<256x256xf32>, vector<8192x256xf32>, vector<256x8192xf32> -> vector<256x8192xf32>
    %get3A_42 = arith.constant 0 : index
    %get3A_43 = arith.constant 0 : index
    %get3A_44 = vector.load %arg9[%get3A_42, %get3A_43] : memref<1x8192xf32, #tpu.memory_space<vmem>>, vector<1x8192xf32>
    %mul3A = arith.constant 2.000000e+00 : f32
    %mul3A_45 = vector.broadcast %mul3A : f32 to vector<256x8192xf32>
    %mul3A_46 = arith.mulf %mul3A_45, %dot_general3A_41 : vector<256x8192xf32>
    %sub3A = vector.broadcast %get3A_44 : vector<1x8192xf32> to vector<256x8192xf32>
    %sub3A_47 = arith.subf %sub3A, %mul3A_46 : vector<256x8192xf32>
    %reduce_min3A = arith.constant dense<0x7F800000> : vector<256xf32>
    %reduce_min3A_48 = vector.multi_reduction <minimumf>, %sub3A_47, %reduce_min3A [1] : vector<256x8192xf32> to vector<256xf32>
    %broadcast_in_dim3A = vector.shape_cast %reduce_min3A_48 : vector<256xf32> to vector<256x1xf32>
    %iota3A = tpu.iota {dimensions = array<i32: 1>} : vector<256x8192xi32>
    %eq3A = vector.broadcast %broadcast_in_dim3A : vector<256x1xf32> to vector<256x8192xf32>
    %eq3A_49 = arith.cmpf oeq, %sub3A_47, %eq3A : vector<256x8192xf32>
    %jit3A = arith.constant 8192 : i32
    %broadcast_in_dim3A_50 = vector.broadcast %jit3A : i32 to vector<256x8192xi32>
    %select_n3A = arith.select %eq3A_49, %iota3A, %broadcast_in_dim3A_50 : vector<256x8192xi1>, vector<256x8192xi32>
    %reduce_min3A_51 = arith.constant dense<2147483647> : vector<256xi32>
    %reduce_min3A_52 = vector.multi_reduction <minsi>, %select_n3A, %reduce_min3A_51 [1] : vector<256x8192xi32> to vector<256xi32>
    %reshape3A = vector.shape_cast %reduce_min3A_52 : vector<256xi32> to vector<1x1x256xi32>
    %swap3A_53 = arith.constant 0 : index
    %swap3A_54 = arith.constant 0 : index
    %swap3A_55 = arith.constant 0 : index
    %swap3A_56 = vector.load %arg11[%swap3A_53, %swap3A_54, %swap3A_55] : memref<1x1x256xi32, #tpu.memory_space<vmem>>, vector<1x1x256xi32>
    tpu.vector_store %arg11[%swap3A_53, %swap3A_54, %swap3A_55], %reshape3A {strides = array<i32>} : memref<1x1x256xi32, #tpu.memory_space<vmem>>, vector<1x1x256xi32>,
    return
  }
  func.func @transform_0(%arg0: i32) -> (i32, i32) {
    %c0_i32 = arith.constant 0 : i32
    %c0_i32_0 = arith.constant 0 : i32
    return %arg0, %c0_i32 : i32, i32
  }
  func.func @transform_1(%arg0: i32) -> (i32, i32) {
    %c0_i32 = arith.constant 0 : i32
    %c0_i32_0 = arith.constant 0 : i32
    %c0_i32_1 = arith.constant 0 : i32
    return %c0_i32, %c0_i32_0 : i32, i32
  }
  func.func @transform_2(%arg0: i32) -> (i32, i32) {
    %c0_i32 = arith.constant 0 : i32
    %c0_i32_0 = arith.constant 0 : i32
    %c0_i32_1 = arith.constant 0 : i32
    return %c0_i32, %c0_i32_0 : i32, i32
  }
  func.func @transform_3(%arg0: i32) -> (i32, i32) {
    %c0_i32 = arith.constant 0 : i32
    %c0_i32_0 = arith.constant 0 : i32
    %c0_i32_1 = arith.constant 0 : i32
    return %c0_i32, %c0_i32_0 : i32, i32
  }
  func.func @transform_4(%arg0: i32) -> (i32, i32) {
    %c0_i32 = arith.constant 0 : i32
    %c0_i32_0 = arith.constant 0 : i32
    %c0_i32_1 = arith.constant 0 : i32
    return %c0_i32, %c0_i32_0 : i32, i32
  }
  func.func @transform_5(%arg0: i32) -> (i32, i32) {
    %c0_i32 = arith.constant 0 : i32
    %c0_i32_0 = arith.constant 0 : i32
    %c0_i32_1 = arith.constant 0 : i32
    return %c0_i32, %c0_i32_0 : i32, i32
  }
  func.func @transform_6(%arg0: i32) -> (i32, i32) {
    %c0_i32 = arith.constant 0 : i32
    %c0_i32_0 = arith.constant 0 : i32
    %c0_i32_1 = arith.constant 0 : i32
    return %c0_i32, %c0_i32_0 : i32, i32
  }
  func.func @transform_7(%arg0: i32) -> (i32, i32) {
    %c0_i32 = arith.constant 0 : i32
    %c0_i32_0 = arith.constant 0 : i32
    %c0_i32_1 = arith.constant 0 : i32
    return %c0_i32, %c0_i32_0 : i32, i32
  }
  func.func @transform_8(%arg0: i32) -> (i32, i32) {
    %c0_i32 = arith.constant 0 : i32
    %c0_i32_0 = arith.constant 0 : i32
    %c0_i32_1 = arith.constant 0 : i32
    return %c0_i32, %c0_i32_0 : i32, i32
  }
  func.func @transform_9(%arg0: i32) -> (i32, i32) {
    %c0_i32 = arith.constant 0 : i32
    %c0_i32_0 = arith.constant 0 : i32
    return %arg0, %c0_i32 : i32, i32
  }
  func.func @transform_10(%arg0: i32) -> (i32, i32, i32) {
    %c0_i32 = arith.constant 0 : i32
    %c0_i32_0 = arith.constant 0 : i32
    %c0_i32_1 = arith.constant 0 : i32
    return %arg0, %c0_i32, %c0_i32_0 : i32, i32, i32
  }
}

</mosaic_0001>

<sc_bundles>
// kernel: kernel.5.cloned.1.call-start
scs
__scs_entry_jumppad:
0x0: {  	(pc) =	sbr.rel $0x88, $3  }
0x1: {  	(tag) =	ssettag $0x0;
	lr =	simm.s32 $0x1  }
0x2: {  	[smem:$0x3F93] =	sst lr;
	_ =	strace $0xD0000000  }
0x3: {  	_ = 	snop  }
0x4: {  	_ = 	snop  }
0x5: {  	_ = 	snop  }
0x6: {  	_ = 	snop  }
0x7: {  	_ = 	snop  }
__scs_overlays_trampoline_lowered:
0x8: {  	[smem:$0x3FA2] =	sst s0  }
0x9: {  	[smem:$0x3FA3] =	sst s1  }
0xa: {  	[smem:$0x3FA4] =	sst s2  }
0xb: {  	[smem:$0x3FA5] =	sst s3  }
0xc: {  	[smem:$0x3FA6] =	sst s4  }
0xd: {  	[smem:$0x3FA7] =	sst s5  }
0xe: {  	[smem:$0x3FA8] =	sst s6  }
0xf: {  	[smem:$0x3FA9] =	sst s7  }
0x10: {  	[smem:$0x3FAA] =	sst s8  }
0x11: {  	[smem:$0x3FAB] =	sst s9;
	s0 =	simm.s32 @!p0 $0x0  }
0x12: {  	s1 =	sld [smem:$0x3F91];
	s0 =	simm.s32 @p0 $0x1  }
0x13: {  	[smem:$0x3FAC] =	sst s0;
	s0 =	simm.s32 @!p1 $0x0  }
0x14: {  	s2 =	sld [smem:$0x3F90];
	s0 =	simm.s32 @p1 $0x1  }
0x15: {  	[smem:$0x3FAD] =	sst s0;
	s0 =	simm.s32 @!p2 $0x0  }
0x16: {  	s3 =	sld [smem:$0x3FDB];
	s0 =	simm.s32 @p2 $0x1  }
0x17: {  	s4 =	simm.s32 $0x1BF5;
	[smem:$0x3FAF] =	sst s0  }
0x18: {  	s0 =	sld [smem:$0x3F92];
	_ =	swait.ge [sflag:s4], $0x0  }
0x19: {  	s7 =	sld [smem:$0x3F93]  }
0x1a: {  	s8 =	sadd.s32 $0xFFFFE003, lr  }
0x1b: {  	s9 =	sadd.s32 $0xFFFFFEF7, lr;
	s5 =	simm.s32 $0xFFFFFFFF;
	p2 =	slt.u32 s8, $0xFFFFF086  }
0x1c: {  	p1 =	slt.u32 s9, $0xF7A;
	s5 =	simm.s32 @!p2 $0x0  }
0x1d: {  	s5 =	simm.s32 @p1 $0x1;
	p0 =	seq.s32 s7, s2  }
0x1e: {  	s7 =	smul.u32 @!p0 $0xF7A, s2;
	p2 =	seq.s32 @!p0 s5, $0x0  }
0x1f: {  	s9 =	smul.u32 $0xF7A, s1;
	s8 =	simm.s32 @!p0 $0x1BF5;
	p2 =	por !p2, p0  }
0x20: {  	[sflag:s8] =	ssyncset.s32 @!p0 $0xFFFFF086;
	s6 =	sadd.s32 @!p0 s3, s7;
	s7 =	simm.s32 @!p0 $0x108  }
0x21: {  	s3 =	sadd.s32 s3, s9;
	s6 =	sadd.s32 @!p0 $0x88, s6;
	s7 =	simm.s32 @p2 $0x1082  }
0x22: {  	[simem:s7], [sflag:s8] =	dma.local @!p0 [hbm:s6], $0xF7A  }
0x23: {  	s9 =	sor.u32 $0xD0000000, s2;
	s6 =	simm.s32 $0x108;
	_ =	swait.ge @!p0 [sflag:s8], $0x0  }
0x24: {  	s3 =	sadd.s32 $0x88, s3;
	s6 =	simm.s32 @!p1 $0x1082;
	[sflag:s4] =	ssyncset.s32 $0xFFFFF086  }
0x25: {  	[simem:s6], [sflag:s4] =	dma.local [hbm:s3], $0xF7A  }
0x26: {  	[smem:$0x3F93] =	sst s1;
	(tag) =	ssettag s2;
	_ =	strace s9  }
0x27: {  	s1 =	sld [smem:$0x3FA3]  }
0x28: {  	s2 =	sld [smem:$0x3FA4]  }
0x29: {  	s4 =	sld [smem:$0x3FA6]  }
0x2a: {  	p0 =	seq.s32 s5, $0x0;
	s5 =	sld [smem:$0x3FA7]  }
0x2b: {  	s6 =	sld [smem:$0x3FA8]  }
0x2c: {  	s7 =	sld [smem:$0x3FA9]  }
0x2d: {  	s3 =	simm.s32 $0x108;
	s8 =	sld [smem:$0x3FAA]  }
0x2e: {  	s3 =	simm.s32 @!p0 $0x1082;
	s9 =	sld [smem:$0x3FAB]  }
0x2f: {  	lr =	sadd.s32 s0, s3;
	s0 =	sld [smem:$0x3FA2]  }
0x30: {  	s3 =	sld [smem:$0x3FA5]  }
0x31: {  	[smem:$0x3FAE] =	sst s10  }
0x32: {  	s10 =	sld [smem:$0x3FAC];
	_ =	sdelay $0x3  }
0x33: {  	p0 =	seq.s32 s10, $0x1;
	s10 =	sld [smem:$0x3FAE];
	_ =	sdelay $0x3  }
0x34: {  	[smem:$0x3FAE] =	sst s10  }
0x35: {  	s10 =	sld [smem:$0x3FAD];
	_ =	sdelay $0x3  }
0x36: {  	p1 =	seq.s32 s10, $0x1;
	s10 =	sld [smem:$0x3FAE];
	_ =	sdelay $0x3  }
0x37: {  	[smem:$0x3FAE] =	sst s10  }
0x38: {  	s10 =	sld [smem:$0x3FAF]  }
0x39: {  	_ = 	snop;
	(pc) =	sbr.ind lr, $3  }
0x3a: {  	_ = 	snop  }
0x3b: {  	_ = 	snop  }
0x3c: {  	p2 =	seq.s32 s10, $0x1;
	s10 =	sld [smem:$0x3FAE]  }
0x3d: {  	_ =	shalt  }
0x3e: {  	_ =	shalt  }
0x3f: {  	_ =	shalt  }
0x40: {  	_ =	shalt  }
0x41: {  	_ =	shalt  }
0x42: {  	_ =	shalt  }
0x43: {  	_ =	shalt  }
0x44: {  	_ =	shalt  }
0x45: {  	_ =	shalt  }
0x46: {  	_ =	shalt  }
0x47: {  	_ =	shalt  }
0x48: {  	_ =	shalt  }
0x49: {  	_ =	shalt  }
0x4a: {  	_ =	shalt  }
0x4b: {  	_ =	shalt  }
0x4c: {  	_ =	shalt  }
0x4d: {  	_ =	shalt  }
0x4e: {  	_ =	shalt  }
0x4f: {  	_ =	shalt  }
0x50: {  	_ =	shalt  }
0x51: {  	_ =	shalt  }
0x52: {  	_ =	shalt  }
0x53: {  	_ =	shalt  }
0x54: {  	_ =	shalt  }
0x55: {  	_ =	shalt  }
0x56: {  	_ =	shalt  }
0x57: {  	_ =	shalt  }
0x58: {  	_ =	shalt  }
0x59: {  	_ =	shalt  }
0x5a: {  	_ =	shalt  }
0x5b: {  	_ =	shalt  }
0x5c: {  	_ =	shalt  }
0x5d: {  	_ =	shalt  }
0x5e: {  	_ =	shalt  }
0x5f: {  	_ =	shalt  }
0x60: {  	_ =	shalt  }
0x61: {  	_ =	shalt  }
0x62: {  	_ =	shalt  }
0x63: {  	_ =	shalt  }
0x64: {  	_ =	shalt  }
0x65: {  	_ =	shalt  }
0x66: {  	_ =	shalt  }
0x67: {  	_ =	shalt  }
0x68: {  	_ =	shalt  }
0x69: {  	_ =	shalt  }
0x6a: {  	_ =	shalt  }
0x6b: {  	_ =	shalt  }
0x6c: {  	_ =	shalt  }
0x6d: {  	_ =	shalt  }
0x6e: {  	_ =	shalt  }
0x6f: {  	_ =	shalt  }
0x70: {  	_ =	shalt  }
0x71: {  	_ =	shalt  }
0x72: {  	_ =	shalt  }
0x73: {  	_ =	shalt  }
0x74: {  	_ =	shalt  }
0x75: {  	_ =	shalt  }
0x76: {  	_ =	shalt  }
0x77: {  	_ =	shalt  }
0x78: {  	_ =	shalt  }
0x79: {  	_ =	shalt  }
0x7a: {  	_ =	shalt  }
0x7b: {  	_ =	shalt  }
0x7c: {  	_ =	shalt  }
0x7d: {  	_ =	shalt  }
0x7e: {  	_ =	shalt  }
0x7f: {  	_ =	shalt  }
0x80: {  	_ =	shalt  }
0x81: {  	_ =	shalt  }
0x82: {  	_ =	shalt  }
0x83: {  	_ =	shalt  }
0x84: {  	_ =	shalt  }
0x85: {  	_ =	shalt  }
0x86: {  	_ =	shalt  }
0x87: {  	_ =	shalt  }
.Lfunc_end0:
.L_simem_size_0:
called_computation_lowered:
.L_overlay_start_0:
0x88: {  	s2 =	sld [smem:$0x3FD9]  }
0x89: {  	s3 =	sld [smem:$0x3FFE];
	_ =	sdelay $0x1  }
0x8a: {  	s1 =	srdreg.scid  }
0x8b: {  	s0 =	sand.u32 $0x1, s1  }
0x8c: {  	s14 =	sshll.u32 s0, $0xA;
	s2 =	sadd.s32 s3, s2  }
0x8d: {  	s2 =	sadd.s32 s2, s14  }
0x8e: {  	[smem:$0x3FBA] =	sst s2  }
0x8f: {  	_ = 	snop  }
0x90: {  	s2 =	sld [smem:$0x3FD0];
	_ =	sdelay $0x2  }
0x91: {  	s4 =	simm.s32 $0xA;
	s5 =	simm.s32 $0x10;
	s15 =	sld [smem:$0x3FC2]  }
0x92: {  	[smem:s5], [sflag:s4] =	dma.local [hbm:s2], $0x1  }
0x93: {  	_ =	swait.eq [sflag:s4], $0x1  }
0x94: {  	[sflag:s4] =	ssyncset.done $0x0  }
0x95: {  	[sflag:s4] =	ssyncadd.s32 $0xFFFFFFFF  }
0x96: {  	s16 =	sld [smem:$0x10];
	(tm) =	ssettm $0x1  }
0x97: {  	s17 =	sld [smem:$0x3FFB];
	_ =	sdelay $0x3  }
0x98: {  	_ =	strace s17  }
0x99: {  	s4 =	sld [smem:$0x3FFC];
	_ =	sdelay $0x3  }
0x9a: {  	_ =	strace s4  }
0x9b: {  	s4 =	sld [smem:$0x3FFD];
	_ =	sdelay $0x3  }
0x9c: {  	_ =	strace s4  }
0x9d: {  	_ =	strace $0x8FFFFFFF  }
0x9e: {  	s18 =	sld [smem:$0x3FDB];
	_ =	sdelay $0x1  }
0x9f: {  	s19 =	simm.s32 $_scs_section_size  }
0xa0: {  	s6 =	simm.s32 $_size__tile_overlayer_lowered;
	s7 =	simm.s32 $_tile_overlayer_lowered  }
0xa1: {  	s22 =	simm.s32 $0x1BFF;
	s21 =	sshll.u32 s7, $0x1;
	s4 =	sadd.s32 s19, s18  }
0xa2: {  	s8 =	simm.s32 $0x0;
	s20 =	sshll.u32 s6, $0x1;
	s6 =	sadd.s32 s21, s4  }
0xa3: {  	[timem:s8], [sflag:s22] =	dma.local [hbm:s6], s20  }
0xa4: {  	_ =	swait.ge [sflag:s22], s20  }
0xa5: {  	s5 =	ssub.s32 $0x0, s20;
	[sflag:s22] =	ssyncset.done $0x0  }
0xa6: {  	[sflag:s22] =	ssyncadd.s32 s5;
	_ =	sdelay $0x1  }
0xa7: {  	s23 =	simm.s32 $0x1B8B  }
0xa8: {  	_ =	swait.ge [sflag:s23], $0x1  }
0xa9: {  	[sflag:s23] =	ssyncset.done $0x0  }
0xaa: {  	s25 =	simm.s32 $0x1B8E;
	s24 =	sld [smem:$0x3FFE];
	[sflag:s23] =	ssyncadd.s32 $0xFFFFFFFF  }
0xab: {  	s26 =	simm.s32 $execute0_lowered;
	[smem:$0x3FD2] =	sst s25  }
0xac: {  	s6 =	sshll.u32 s26, $0x1;
	_ =	strace $0x80000046;
	[dreg:$0x1] =	wrdreg $0xFFFFFFFF  }
0xad: {  	s28 =	simm.s32 $_size_execute0_lowered;
	s4 =	sadd.s32 s4, s6;
	[dreg:$0x0] =	wrdreg $0x0  }
0xae: {  	s6 =	sshll.u32 s28, $0x1;
	[dreg:$0x2] =	wrdreg s4  }
0xaf: {  	[dreg:$0x3] =	wrdreg s6  }
0xb0: {  	[dreg:$0x4] =	wrdreg $0xC0  }
0xb1: {  	_ =	task [dreg:s8], $0x5FFFF  }
0xb2: {  	[dreg:$0x1] =	wrdreg $0xFFFFFFFF  }
0xb3: {  	[dreg:$0x0] =	wrdreg $0x60  }
0xb4: {  	[dreg:$0x2] =	wrdreg s15  }
0xb5: {  	[dreg:$0x3] =	wrdreg s24  }
0xb6: {  	[dreg:$0x4] =	wrdreg s16  }
0xb7: {  	[dreg:$0x5] =	wrdreg $0x82800  }
0xb8: {  	[dreg:$0x6] =	wrdreg $0x9  }
0xb9: {  	_ =	task.clear_ibuf [dreg:s8], $0x7FFFF;
	_ =	strace $0x90000046  }
0xba: {  	s29 =	simm.s32 $0x9;
	_ =	strace $0x80000048  }
0xbb: {  	_ =	swait.ge [sflag:s29], $0x1  }
0xbc: {  	[sflag:s29] =	ssyncadd.s32 $0xFFFFFFFF  }
0xbd: {  	_ =	strace $0x90000048  }
0xbe: {  	_ =	sfence  }
0xbf: {  	s30 =	sld [smem:$0x0];
	_ =	sdelay $0x2  }
0xc0: {  	s31 =	sshll.u32 s1, $0xD;
	s1 =	sshrl.u32 s1, $0x2  }
0xc1: {  	s3 =	sand.u32 $0x4000, s31;
	s1 =	sadd.s32 s1, s30  }
0xc2: {  	s0 =	sor.u32 s3, s0;
	s1 =	sshll.u32 s1, $0x11  }
0xc3: {  	s0 =	sor.u32 s1, s0  }
0xc4: {  	s0 =	sadd.s32 $0x8F2B, s0  }
0xc5: {  	[sflag:s0] =	ssyncadd.remote.s32 $0x1  }
0xc6: {  	_ =	sfence.sel $0xFFFF  }
0xc7: {  	[dreg:$0x0] =	wrdreg $0xFFFFFFFF;
	(pc) =	sbr.abs _section_cstart, $3  }
0xc8: {  	[dreg:$0x1] =	wrdreg $0xFFFFFFFF  }
0xc9: {  	_ =	task.clear_ibuf [dreg:s8], $0x2FFFF;
	_ =	strace $0x9FFFFFFF  }
0xca: {  	(tm) =	ssettm $0x7FFFFFFF  }
0xcb: {  	_ =	shalt  }
tec
execute0_lowered:
.L_overlay_start_1:
0x0: {  	(tag) =	ssettag $0x1  }
0x1: {  	s1 =	rddreg [dreg:$0x0]  }
0x2: {  	s4 =	rddreg [dreg:$0x1]  }
0x3: {  	s5 =	rddreg [dreg:$0x2]  }
0x4: {  	s2 =	rddreg [dreg:$0x3]  }
0x5: {  	s3 =	srdreg.scid;
	s7 =	stileid.u32  }
0x6: {  	s16 =	simm.s32 $0x3A00;
	s17 =	simm.s32 $0x4200;
	s18 =	simm.s32 $0x4A00  }
0x7: {  	s6 =	sand.u32 $0x1, s3;
	s3 =	simm.s32 $0x0;
	s8 =	sshll.u32 s7, $0xA  }
0x8: {  	s19 =	sadd.s32 $0x82800, s4;
	p0 =	sne.s32 s7, $0x0;
	s9 =	sshll.u32 s6, $0x9  }
0x9: {  	[smem:$0x7FF] =	sst s3;
	s11 =	sshll.u32 s6, $0x4;
	s6 =	ssub.s32 $0x2, s6  }
0xa: {  	s8 =	sor.u32 s9, s8;
	_ =	strace $0x80000047;
	s4 =	sadd.s32 s11, s4  }
0xb: {  	s30 =	sshrl.u32 s6, $0x1;
	s11 =	simm.s32 $0x1200;
	s10 =	sshrl.u32 s8, $0x3  }
0xc: {  	s12 =	sor.u32 $0x80, s8;
	s13 =	sor.u32 $0x100, s8;
	s15 =	sor.u32 $0x180, s8  }
0xd: {  	s8 =	sshll.u32 s8, $0x5;
	s29 =	sadd.s32 $0x83000, s4;
	s4 =	sadd.s32 $0x83800, s4  }
0xe: {  	s31 =	ssub.s32 s6, s30;
	s6 =	simm.s32 $0x80;
	s10 =	sadd.s32 s19, s10  }
0xf: {  	s20 =	sshrl.u32 s12, $0x3;
	s14 =	sshrl.u32 s13, $0x3;
	s22 =	sshrl.u32 s15, $0x3  }
0x10: {  	s8 =	sadd.s32 s5, s8;
	s23 =	sshll.u32 s12, $0x5;
	[dreg:$0xd] =	wrdreg s29  }
0x11: {  	s25 =	sshll.u32 s13, $0x5;
	s28 =	sshll.u32 s15, $0x5;
	[dreg:$0xe] =	wrdreg s4  }
0x12: {  	s4 =	smax.u32 s31, $0x1;
	s12 =	simm.s32 $0x1A00;
	[dreg:$0x5] =	wrdreg s10  }
0x13: {  	s13 =	simm.s32 $0x2200;
	s10 =	sadd.s32 s19, s20;
	[dreg:$0x9] =	wrdreg s8  }
0x14: {  	s15 =	simm.s32 $0x3200;
	s21 =	sadd.s32 s19, s14;
	[dreg:$0x6] =	wrdreg s10  }
0x15: {  	s9 =	sadd.s32 s19, s22;
	s24 =	sadd.s32 s5, s23;
	[dreg:$0x7] =	wrdreg s21  }
0x16: {  	s26 =	sadd.s32 s5, s25;
	s5 =	sadd.s32 s5, s28;
	[dreg:$0x8] =	wrdreg s9  }
0x17: {  	s14 =	simm.s32 $0x2A00;
	s19 =	simm.s32 $0x5200;
	[dreg:$0xa] =	wrdreg s24  }
0x18: {  	s20 =	simm.s32 $0x5A00;
	s22 =	simm.s32 $0x6A00;
	[dreg:$0xb] =	wrdreg s26  }
0x19: {  	v2 =	vlaneseq.u32;
	s23 =	simm.s32 $0x7200;
	s25 =	simm.s32 $0x1;
	[dreg:$0xc] =	wrdreg s5  }
0x1a: {  	vm0 =	vmmov $0xffff;
	v3 =	vimm.f32 $1.000000000e+00;
	v1 =	vshrl.u32 v2, $0x3;
	s5 =	simm.s32 $0x2;
	s9 =	simm.s32 $0x200;
	s10 =	simm.s32 $0xA00  }
0x1b: {  	v0 =	vand.u32 $0x7, v2;
	v2 =	vor.u32 $0x8, v2;
	v1 =	vmul.u32 $0x8, v1;
	s21 =	simm.s32 $0x6200;
	s24 =	simm.s32 $0x7A00;
	s26 =	simm.s32 $0x8200  }
.LBB2_1:
0x1c: {  	s28 =	rddreg [dreg:$0x5]  }
0x1d: {  	[tilespmem:s3], [sflag:$0x2] =	stream.linear.gather [hbm4b:s28+s3], $0x80, $0x38;
	[tilespmem:$0x8480] =	vst v63  }
0x1e: {  	_ =	swait.ge [sflag:s5], $0x80  }
0x1f: {  	[sflag:s5] =	ssyncset.done $0x0  }
0x20: {  	s30 =	rddreg [dreg:$0x6];
	[sflag:s5] =	ssyncadd.s32 $0xFFFFFF80  }
0x21: {  	[tilespmem:s6], [sflag:$0x2] =	stream.linear.gather [hbm4b:s30+s3], $0x80, $0x38;
	[tilespmem:$0x8480] =	vst v63  }
0x22: {  	_ =	swait.ge [sflag:s5], $0x80  }
0x23: {  	[sflag:s5] =	ssyncset.done $0x0  }
0x24: {  	s0 =	simm.s32 $0x100;
	s31 =	rddreg [dreg:$0x7];
	[sflag:s5] =	ssyncadd.s32 $0xFFFFFF80  }
0x25: {  	[tilespmem:s0], [sflag:$0x2] =	stream.linear.gather [hbm4b:s31+s3], $0x80, $0x38;
	[tilespmem:$0x8480] =	vst v63  }
0x26: {  	_ =	swait.ge [sflag:s5], $0x80  }
0x27: {  	[sflag:s5] =	ssyncset.done $0x0  }
0x28: {  	s7 =	simm.s32 $0x180;
	s0 =	rddreg [dreg:$0x8];
	[sflag:s5] =	ssyncadd.s32 $0xFFFFFF80  }
0x29: {  	[tilespmem:s7], [sflag:$0x2] =	stream.linear.gather [hbm4b:s0+s3], $0x80, $0x38;
	[tilespmem:$0x8480] =	vst v63  }
0x2a: {  	_ =	swait.ge [sflag:s5], $0x80  }
0x2b: {  	[sflag:s5] =	ssyncset.done $0x0  }
0x2c: {  	[sflag:s5] =	ssyncadd.s32 $0xFFFFFF80  }
0x2d: {  	v4 =	vld [tilespmem:$0x0];
	_ =	sdelay $0x4  }
0x2e: {  	v5 =	vshll.u32 v4, $0x1  }
0x2f: {  	v4 =	vand.u32 $0x7, v4;
	v5 =	vand.u32 $0xFFFFFFF0, v5  }
0x30: {  	v4 =	vor.u32 v4, v5  }
0x31: {  	v5 =	vperm.xlane v4, v0;
	_ =	sdelay $0x1  }
0x32: {  	v4 =	vperm.xlane v4, v2;
	v5 =	vadd.s32 v1, v5;
	_ =	sdelay $0x1  }
0x33: {  	v4 =	vadd.s32 v1, v4;
	_ =	sdelay $0x2  }
0x34: {  	[tilespmem:s9], [sflag:$0x1] =	stream.indirect_vreg.gather [hbm4b:s1+s3], $0x80, v5, vm0, $0xb8;
	[tilespmem:$0x8480] =	vst v63  }
0x35: {  	_ = 	snop  }
0x36: {  	[tilespmem:s10], [sflag:$0x1] =	stream.indirect_vreg.gather [hbm4b:s1+s3], $0x80, v4, vm0, $0xb8;
	[tilespmem:$0x8480] =	vst v63  }
0x37: {  	v4 =	vld [tilespmem:$0x10];
	_ =	sdelay $0x4  }
0x38: {  	v5 =	vshll.u32 v4, $0x1  }
0x39: {  	v4 =	vand.u32 $0x7, v4;
	v5 =	vand.u32 $0xFFFFFFF0, v5  }
0x3a: {  	v4 =	vor.u32 v4, v5  }
0x3b: {  	v5 =	vperm.xlane v4, v0;
	_ =	sdelay $0x1  }
0x3c: {  	v4 =	vperm.xlane v4, v2;
	v5 =	vadd.s32 v1, v5;
	_ =	sdelay $0x1  }
0x3d: {  	v4 =	vadd.s32 v1, v4;
	_ =	sdelay $0x2  }
0x3e: {  	[tilespmem:s11], [sflag:$0x1] =	stream.indirect_vreg.gather [hbm4b:s1+s3], $0x80, v5, vm0, $0xb8;
	[tilespmem:$0x8480] =	vst v63  }
0x3f: {  	_ = 	snop  }
0x40: {  	[tilespmem:s12], [sflag:$0x1] =	stream.indirect_vreg.gather [hbm4b:s1+s3], $0x80, v4, vm0, $0xb8;
	[tilespmem:$0x8480] =	vst v63  }
0x41: {  	v4 =	vld [tilespmem:$0x20];
	_ =	sdelay $0x4  }
0x42: {  	v5 =	vshll.u32 v4, $0x1  }
0x43: {  	v4 =	vand.u32 $0x7, v4;
	v5 =	vand.u32 $0xFFFFFFF0, v5  }
0x44: {  	v4 =	vor.u32 v4, v5  }
0x45: {  	v5 =	vperm.xlane v4, v0;
	_ =	sdelay $0x1  }
0x46: {  	v4 =	vperm.xlane v4, v2;
	v5 =	vadd.s32 v1, v5;
	_ =	sdelay $0x1  }
0x47: {  	v4 =	vadd.s32 v1, v4;
	_ =	sdelay $0x2  }
0x48: {  	[tilespmem:s13], [sflag:$0x1] =	stream.indirect_vreg.gather [hbm4b:s1+s3], $0x80, v5, vm0, $0xb8;
	[tilespmem:$0x8480] =	vst v63  }
0x49: {  	_ = 	snop  }
0x4a: {  	[tilespmem:s14], [sflag:$0x1] =	stream.indirect_vreg.gather [hbm4b:s1+s3], $0x80, v4, vm0, $0xb8;
	[tilespmem:$0x8480] =	vst v63  }
0x4b: {  	v4 =	vld [tilespmem:$0x30];
	_ =	sdelay $0x4  }
0x4c: {  	v5 =	vshll.u32 v4, $0x1  }
0x4d: {  	v4 =	vand.u32 $0x7, v4;
	v5 =	vand.u32 $0xFFFFFFF0, v5  }
0x4e: {  	v4 =	vor.u32 v4, v5  }
0x4f: {  	v5 =	vperm.xlane v4, v0;
	_ =	sdelay $0x1  }
0x50: {  	v4 =	vperm.xlane v4, v2;
	v5 =	vadd.s32 v1, v5;
	_ =	sdelay $0x1  }
0x51: {  	v4 =	vadd.s32 v1, v4;
	_ =	sdelay $0x2  }
0x52: {  	[tilespmem:s15], [sflag:$0x1] =	stream.indirect_vreg.gather [hbm4b:s1+s3], $0x80, v5, vm0, $0xb8;
	[tilespmem:$0x8480] =	vst v63  }
0x53: {  	_ = 	snop  }
0x54: {  	[tilespmem:s16], [sflag:$0x1] =	stream.indirect_vreg.gather [hbm4b:s1+s3], $0x80, v4, vm0, $0xb8;
	[tilespmem:$0x8480] =	vst v63  }
0x55: {  	v4 =	vld [tilespmem:$0x40];
	_ =	sdelay $0x4  }
0x56: {  	v5 =	vshll.u32 v4, $0x1  }
0x57: {  	v4 =	vand.u32 $0x7, v4;
	v5 =	vand.u32 $0xFFFFFFF0, v5  }
0x58: {  	v4 =	vor.u32 v4, v5  }
0x59: {  	v5 =	vperm.xlane v4, v0;
	_ =	sdelay $0x1  }
0x5a: {  	v4 =	vperm.xlane v4, v2;
	v5 =	vadd.s32 v1, v5;
	_ =	sdelay $0x1  }
0x5b: {  	v4 =	vadd.s32 v1, v4;
	_ =	sdelay $0x2  }
0x5c: {  	[tilespmem:s17], [sflag:$0x1] =	stream.indirect_vreg.gather [hbm4b:s1+s3], $0x80, v5, vm0, $0xb8;
	[tilespmem:$0x8480] =	vst v63  }
0x5d: {  	_ = 	snop  }
0x5e: {  	[tilespmem:s18], [sflag:$0x1] =	stream.indirect_vreg.gather [hbm4b:s1+s3], $0x80, v4, vm0, $0xb8;
	[tilespmem:$0x8480] =	vst v63  }
0x5f: {  	v4 =	vld [tilespmem:$0x50];
	_ =	sdelay $0x4  }
0x60: {  	v5 =	vshll.u32 v4, $0x1  }
0x61: {  	v4 =	vand.u32 $0x7, v4;
	v5 =	vand.u32 $0xFFFFFFF0, v5  }
0x62: {  	v4 =	vor.u32 v4, v5  }
0x63: {  	v5 =	vperm.xlane v4, v0;
	_ =	sdelay $0x1  }
0x64: {  	v4 =	vperm.xlane v4, v2;
	v5 =	vadd.s32 v1, v5;
	_ =	sdelay $0x1  }
0x65: {  	v4 =	vadd.s32 v1, v4;
	_ =	sdelay $0x2  }
0x66: {  	[tilespmem:s19], [sflag:$0x1] =	stream.indirect_vreg.gather [hbm4b:s1+s3], $0x80, v5, vm0, $0xb8;
	[tilespmem:$0x8480] =	vst v63  }
0x67: {  	_ = 	snop  }
0x68: {  	[tilespmem:s20], [sflag:$0x1] =	stream.indirect_vreg.gather [hbm4b:s1+s3], $0x80, v4, vm0, $0xb8;
	[tilespmem:$0x8480] =	vst v63  }
0x69: {  	v4 =	vld [tilespmem:$0x60];
	_ =	sdelay $0x4  }
0x6a: {  	v5 =	vshll.u32 v4, $0x1  }
0x6b: {  	v4 =	vand.u32 $0x7, v4;
	v5 =	vand.u32 $0xFFFFFFF0, v5  }
0x6c: {  	v4 =	vor.u32 v4, v5  }
0x6d: {  	v5 =	vperm.xlane v4, v0;
	_ =	sdelay $0x1  }
0x6e: {  	v4 =	vperm.xlane v4, v2;
	v5 =	vadd.s32 v1, v5;
	_ =	sdelay $0x1  }
0x6f: {  	v4 =	vadd.s32 v1, v4;
	_ =	sdelay $0x2  }
0x70: {  	[tilespmem:s21], [sflag:$0x1] =	stream.indirect_vreg.gather [hbm4b:s1+s3], $0x80, v5, vm0, $0xb8;
	[tilespmem:$0x8480] =	vst v63  }
0x71: {  	_ = 	snop  }
0x72: {  	[tilespmem:s22], [sflag:$0x1] =	stream.indirect_vreg.gather [hbm4b:s1+s3], $0x80, v4, vm0, $0xb8;
	[tilespmem:$0x8480] =	vst v63  }
0x73: {  	v4 =	vld [tilespmem:$0x70];
	_ =	sdelay $0x4  }
0x74: {  	v5 =	vshll.u32 v4, $0x1  }
0x75: {  	v4 =	vand.u32 $0x7, v4;
	v5 =	vand.u32 $0xFFFFFFF0, v5  }
0x76: {  	v4 =	vor.u32 v4, v5  }
0x77: {  	v5 =	vperm.xlane v4, v0;
	_ =	sdelay $0x1  }
0x78: {  	v4 =	vperm.xlane v4, v2;
	v5 =	vadd.s32 v1, v5;
	_ =	sdelay $0x1  }
0x79: {  	v4 =	vadd.s32 v1, v4;
	_ =	sdelay $0x2  }
0x7a: {  	[tilespmem:s23], [sflag:$0x1] =	stream.indirect_vreg.gather [hbm4b:s1+s3], $0x80, v5, vm0, $0xb8;
	[tilespmem:$0x8480] =	vst v63  }
0x7b: {  	_ = 	snop  }
0x7c: {  	[tilespmem:s24], [sflag:$0x1] =	stream.indirect_vreg.gather [hbm4b:s1+s3], $0x80, v4, vm0, $0xb8;
	[tilespmem:$0x8480] =	vst v63  }
0x7d: {  	_ =	swait.ge [sflag:s25], $0x8000  }
0x7e: {  	[sflag:s25] =	ssyncset.done $0x0  }
0x7f: {  	s8 =	rddreg [dreg:$0x9];
	[sflag:s25] =	ssyncadd.s32 $0xFFFF8000  }
0x80: {  	[hbm4b:s8+s3] =	stream.linear.scatter [tilespmem:s9], [sflag:$0x2], $0x8000, $0x38;
	[tilespmem:$0x8480] =	vst v63  }
0x81: {  	_ =	swait.ge [sflag:s5], $0x8000  }
0x82: {  	[sflag:s5] =	ssyncset.done $0x0  }
0x83: {  	[sflag:s5] =	ssyncadd.s32 $0xFFFF8000  }
0x84: {  	v4 =	vld [tilespmem:$0x80];
	_ =	sdelay $0x4  }
0x85: {  	v5 =	vshll.u32 v4, $0x1  }
0x86: {  	v4 =	vand.u32 $0x7, v4;
	v5 =	vand.u32 $0xFFFFFFF0, v5  }
0x87: {  	v4 =	vor.u32 v4, v5  }
0x88: {  	v5 =	vperm.xlane v4, v0;
	_ =	sdelay $0x1  }
0x89: {  	v4 =	vperm.xlane v4, v2;
	v5 =	vadd.s32 v1, v5;
	_ =	sdelay $0x1  }
0x8a: {  	v4 =	vadd.s32 v1, v4;
	_ =	sdelay $0x2  }
0x8b: {  	[tilespmem:s9], [sflag:$0x1] =	stream.indirect_vreg.gather [hbm4b:s1+s3], $0x80, v5, vm0, $0xb8;
	[tilespmem:$0x8480] =	vst v63  }
0x8c: {  	_ = 	snop  }
0x8d: {  	[tilespmem:s10], [sflag:$0x1] =	stream.indirect_vreg.gather [hbm4b:s1+s3], $0x80, v4, vm0, $0xb8;
	[tilespmem:$0x8480] =	vst v63  }
0x8e: {  	v4 =	vld [tilespmem:$0x90];
	_ =	sdelay $0x4  }
0x8f: {  	v5 =	vshll.u32 v4, $0x1  }
0x90: {  	v4 =	vand.u32 $0x7, v4;
	v5 =	vand.u32 $0xFFFFFFF0, v5  }
0x91: {  	v4 =	vor.u32 v4, v5  }
0x92: {  	v5 =	vperm.xlane v4, v0;
	_ =	sdelay $0x1  }
0x93: {  	v4 =	vperm.xlane v4, v2;
	v5 =	vadd.s32 v1, v5;
	_ =	sdelay $0x1  }
0x94: {  	v4 =	vadd.s32 v1, v4;
	_ =	sdelay $0x2  }
0x95: {  	[tilespmem:s11], [sflag:$0x1] =	stream.indirect_vreg.gather [hbm4b:s1+s3], $0x80, v5, vm0, $0xb8;
	[tilespmem:$0x8480] =	vst v63  }
0x96: {  	_ = 	snop  }
0x97: {  	[tilespmem:s12], [sflag:$0x1] =	stream.indirect_vreg.gather [hbm4b:s1+s3], $0x80, v4, vm0, $0xb8;
	[tilespmem:$0x8480] =	vst v63  }
0x98: {  	v4 =	vld [tilespmem:$0xA0];
	_ =	sdelay $0x4  }
0x99: {  	v5 =	vshll.u32 v4, $0x1  }
0x9a: {  	v4 =	vand.u32 $0x7, v4;
	v5 =	vand.u32 $0xFFFFFFF0, v5  }
0x9b: {  	v4 =	vor.u32 v4, v5  }
0x9c: {  	v5 =	vperm.xlane v4, v0;
	_ =	sdelay $0x1  }
0x9d: {  	v4 =	vperm.xlane v4, v2;
	v5 =	vadd.s32 v1, v5;
	_ =	sdelay $0x1  }
0x9e: {  	v4 =	vadd.s32 v1, v4;
	_ =	sdelay $0x2  }
0x9f: {  	[tilespmem:s13], [sflag:$0x1] =	stream.indirect_vreg.gather [hbm4b:s1+s3], $0x80, v5, vm0, $0xb8;
	[tilespmem:$0x8480] =	vst v63  }
0xa0: {  	_ = 	snop  }
0xa1: {  	[tilespmem:s14], [sflag:$0x1] =	stream.indirect_vreg.gather [hbm4b:s1+s3], $0x80, v4, vm0, $0xb8;
	[tilespmem:$0x8480] =	vst v63  }
0xa2: {  	v4 =	vld [tilespmem:$0xB0];
	_ =	sdelay $0x4  }
0xa3: {  	v5 =	vshll.u32 v4, $0x1  }
0xa4: {  	v4 =	vand.u32 $0x7, v4;
	v5 =	vand.u32 $0xFFFFFFF0, v5  }
0xa5: {  	v4 =	vor.u32 v4, v5  }
0xa6: {  	v5 =	vperm.xlane v4, v0;
	_ =	sdelay $0x1  }
0xa7: {  	v4 =	vperm.xlane v4, v2;
	v5 =	vadd.s32 v1, v5;
	_ =	sdelay $0x1  }
0xa8: {  	v4 =	vadd.s32 v1, v4;
	_ =	sdelay $0x2  }
0xa9: {  	[tilespmem:s15], [sflag:$0x1] =	stream.indirect_vreg.gather [hbm4b:s1+s3], $0x80, v5, vm0, $0xb8;
	[tilespmem:$0x8480] =	vst v63  }
0xaa: {  	_ = 	snop  }
0xab: {  	[tilespmem:s16], [sflag:$0x1] =	stream.indirect_vreg.gather [hbm4b:s1+s3], $0x80, v4, vm0, $0xb8;
	[tilespmem:$0x8480] =	vst v63  }
0xac: {  	v4 =	vld [tilespmem:$0xC0];
	_ =	sdelay $0x4  }
0xad: {  	v5 =	vshll.u32 v4, $0x1  }
0xae: {  	v4 =	vand.u32 $0x7, v4;
	v5 =	vand.u32 $0xFFFFFFF0, v5  }
0xaf: {  	v4 =	vor.u32 v4, v5  }
0xb0: {  	v5 =	vperm.xlane v4, v0;
	_ =	sdelay $0x1  }
0xb1: {  	v4 =	vperm.xlane v4, v2;
	v5 =	vadd.s32 v1, v5;
	_ =	sdelay $0x1  }
0xb2: {  	v4 =	vadd.s32 v1, v4;
	_ =	sdelay $0x2  }
0xb3: {  	[tilespmem:s17], [sflag:$0x1] =	stream.indirect_vreg.gather [hbm4b:s1+s3], $0x80, v5, vm0, $0xb8;
	[tilespmem:$0x8480] =	vst v63  }
0xb4: {  	_ = 	snop  }
0xb5: {  	[tilespmem:s18], [sflag:$0x1] =	stream.indirect_vreg.gather [hbm4b:s1+s3], $0x80, v4, vm0, $0xb8;
	[tilespmem:$0x8480] =	vst v63  }
0xb6: {  	v4 =	vld [tilespmem:$0xD0];
	_ =	sdelay $0x4  }
0xb7: {  	v5 =	vshll.u32 v4, $0x1  }
0xb8: {  	v4 =	vand.u32 $0x7, v4;
	v5 =	vand.u32 $0xFFFFFFF0, v5  }
0xb9: {  	v4 =	vor.u32 v4, v5  }
0xba: {  	v5 =	vperm.xlane v4, v0;
	_ =	sdelay $0x1  }
0xbb: {  	v4 =	vperm.xlane v4, v2;
	v5 =	vadd.s32 v1, v5;
	_ =	sdelay $0x1  }
0xbc: {  	v4 =	vadd.s32 v1, v4;
	_ =	sdelay $0x2  }
0xbd: {  	[tilespmem:s19], [sflag:$0x1] =	stream.indirect_vreg.gather [hbm4b:s1+s3], $0x80, v5, vm0, $0xb8;
	[tilespmem:$0x8480] =	vst v63  }
0xbe: {  	_ = 	snop  }
0xbf: {  	[tilespmem:s20], [sflag:$0x1] =	stream.indirect_vreg.gather [hbm4b:s1+s3], $0x80, v4, vm0, $0xb8;
	[tilespmem:$0x8480] =	vst v63  }
0xc0: {  	v4 =	vld [tilespmem:$0xE0];
	_ =	sdelay $0x4  }
0xc1: {  	v5 =	vshll.u32 v4, $0x1  }
0xc2: {  	v4 =	vand.u32 $0x7, v4;
	v5 =	vand.u32 $0xFFFFFFF0, v5  }
0xc3: {  	v4 =	vor.u32 v4, v5  }
0xc4: {  	v5 =	vperm.xlane v4, v0;
	_ =	sdelay $0x1  }
0xc5: {  	v4 =	vperm.xlane v4, v2;
	v5 =	vadd.s32 v1, v5;
	_ =	sdelay $0x1  }
0xc6: {  	v4 =	vadd.s32 v1, v4;
	_ =	sdelay $0x2  }
0xc7: {  	[tilespmem:s21], [sflag:$0x1] =	stream.indirect_vreg.gather [hbm4b:s1+s3], $0x80, v5, vm0, $0xb8;
	[tilespmem:$0x8480] =	vst v63  }
0xc8: {  	_ = 	snop  }
0xc9: {  	[tilespmem:s22], [sflag:$0x1] =	stream.indirect_vreg.gather [hbm4b:s1+s3], $0x80, v4, vm0, $0xb8;
	[tilespmem:$0x8480] =	vst v63  }
0xca: {  	v4 =	vld [tilespmem:$0xF0];
	_ =	sdelay $0x4  }
0xcb: {  	v5 =	vshll.u32 v4, $0x1  }
0xcc: {  	v4 =	vand.u32 $0x7, v4;
	v5 =	vand.u32 $0xFFFFFFF0, v5  }
0xcd: {  	v4 =	vor.u32 v4, v5  }
0xce: {  	v5 =	vperm.xlane v4, v0;
	_ =	sdelay $0x1  }
0xcf: {  	v4 =	vperm.xlane v4, v2;
	v5 =	vadd.s32 v1, v5;
	_ =	sdelay $0x1  }
0xd0: {  	v4 =	vadd.s32 v1, v4;
	_ =	sdelay $0x2  }
0xd1: {  	[tilespmem:s23], [sflag:$0x1] =	stream.indirect_vreg.gather [hbm4b:s1+s3], $0x80, v5, vm0, $0xb8;
	[tilespmem:$0x8480] =	vst v63  }
0xd2: {  	_ = 	snop  }
0xd3: {  	[tilespmem:s24], [sflag:$0x1] =	stream.indirect_vreg.gather [hbm4b:s1+s3], $0x80, v4, vm0, $0xb8;
	[tilespmem:$0x8480] =	vst v63  }
0xd4: {  	_ =	swait.ge [sflag:s25], $0x8000  }
0xd5: {  	[sflag:s25] =	ssyncset.done $0x0  }
0xd6: {  	s29 =	rddreg [dreg:$0xa];
	[sflag:s25] =	ssyncadd.s32 $0xFFFF8000  }
0xd7: {  	[hbm4b:s29+s3] =	stream.linear.scatter [tilespmem:s9], [sflag:$0x2], $0x8000, $0x38;
	[tilespmem:$0x8480] =	vst v63  }
0xd8: {  	_ =	swait.ge [sflag:s5], $0x8000  }
0xd9: {  	[sflag:s5] =	ssyncset.done $0x0  }
0xda: {  	[sflag:s5] =	ssyncadd.s32 $0xFFFF8000  }
0xdb: {  	v4 =	vld [tilespmem:$0x100];
	_ =	sdelay $0x4  }
0xdc: {  	v5 =	vshll.u32 v4, $0x1  }
0xdd: {  	v4 =	vand.u32 $0x7, v4;
	v5 =	vand.u32 $0xFFFFFFF0, v5  }
0xde: {  	v4 =	vor.u32 v4, v5  }
0xdf: {  	v5 =	vperm.xlane v4, v0;
	_ =	sdelay $0x1  }
0xe0: {  	v4 =	vperm.xlane v4, v2;
	v5 =	vadd.s32 v1, v5;
	_ =	sdelay $0x1  }
0xe1: {  	v4 =	vadd.s32 v1, v4;
	_ =	sdelay $0x2  }
0xe2: {  	[tilespmem:s9], [sflag:$0x1] =	stream.indirect_vreg.gather [hbm4b:s1+s3], $0x80, v5, vm0, $0xb8;
	[tilespmem:$0x8480] =	vst v63  }
0xe3: {  	_ = 	snop  }
0xe4: {  	[tilespmem:s10], [sflag:$0x1] =	stream.indirect_vreg.gather [hbm4b:s1+s3], $0x80, v4, vm0, $0xb8;
	[tilespmem:$0x8480] =	vst v63  }
0xe5: {  	v4 =	vld [tilespmem:$0x110];
	_ =	sdelay $0x4  }
0xe6: {  	v5 =	vshll.u32 v4, $0x1  }
0xe7: {  	v4 =	vand.u32 $0x7, v4;
	v5 =	vand.u32 $0xFFFFFFF0, v5  }
0xe8: {  	v4 =	vor.u32 v4, v5  }
0xe9: {  	v5 =	vperm.xlane v4, v0;
	_ =	sdelay $0x1  }
0xea: {  	v4 =	vperm.xlane v4, v2;
	v5 =	vadd.s32 v1, v5;
	_ =	sdelay $0x1  }
0xeb: {  	v4 =	vadd.s32 v1, v4;
	_ =	sdelay $0x2  }
0xec: {  	[tilespmem:s11], [sflag:$0x1] =	stream.indirect_vreg.gather [hbm4b:s1+s3], $0x80, v5, vm0, $0xb8;
	[tilespmem:$0x8480] =	vst v63  }
0xed: {  	_ = 	snop  }
0xee: {  	[tilespmem:s12], [sflag:$0x1] =	stream.indirect_vreg.gather [hbm4b:s1+s3], $0x80, v4, vm0, $0xb8;
	[tilespmem:$0x8480] =	vst v63  }
0xef: {  	v4 =	vld [tilespmem:$0x120];
	_ =	sdelay $0x4  }
0xf0: {  	v5 =	vshll.u32 v4, $0x1  }
0xf1: {  	v4 =	vand.u32 $0x7, v4;
	v5 =	vand.u32 $0xFFFFFFF0, v5  }
0xf2: {  	v4 =	vor.u32 v4, v5  }
0xf3: {  	v5 =	vperm.xlane v4, v0;
	_ =	sdelay $0x1  }
0xf4: {  	v4 =	vperm.xlane v4, v2;
	v5 =	vadd.s32 v1, v5;
	_ =	sdelay $0x1  }
0xf5: {  	v4 =	vadd.s32 v1, v4;
	_ =	sdelay $0x2  }
0xf6: {  	[tilespmem:s13], [sflag:$0x1] =	stream.indirect_vreg.gather [hbm4b:s1+s3], $0x80, v5, vm0, $0xb8;
	[tilespmem:$0x8480] =	vst v63  }
0xf7: {  	_ = 	snop  }
0xf8: {  	[tilespmem:s14], [sflag:$0x1] =	stream.indirect_vreg.gather [hbm4b:s1+s3], $0x80, v4, vm0, $0xb8;
	[tilespmem:$0x8480] =	vst v63  }
0xf9: {  	v4 =	vld [tilespmem:$0x130];
	_ =	sdelay $0x4  }
0xfa: {  	v5 =	vshll.u32 v4, $0x1  }
0xfb: {  	v4 =	vand.u32 $0x7, v4;
	v5 =	vand.u32 $0xFFFFFFF0, v5  }
0xfc: {  	v4 =	vor.u32 v4, v5  }
0xfd: {  	v5 =	vperm.xlane v4, v0;
	_ =	sdelay $0x1  }
0xfe: {  	v4 =	vperm.xlane v4, v2;
	v5 =	vadd.s32 v1, v5;
	_ =	sdelay $0x1  }
0xff: {  	v4 =	vadd.s32 v1, v4;
	_ =	sdelay $0x2  }
0x100: {  	[tilespmem:s15], [sflag:$0x1] =	stream.indirect_vreg.gather [hbm4b:s1+s3], $0x80, v5, vm0, $0xb8;
	[tilespmem:$0x8480] =	vst v63  }
0x101: {  	_ = 	snop  }
0x102: {  	[tilespmem:s16], [sflag:$0x1] =	stream.indirect_vreg.gather [hbm4b:s1+s3], $0x80, v4, vm0, $0xb8;
	[tilespmem:$0x8480] =	vst v63  }
0x103: {  	v4 =	vld [tilespmem:$0x140];
	_ =	sdelay $0x4  }
0x104: {  	v5 =	vshll.u32 v4, $0x1  }
0x105: {  	v4 =	vand.u32 $0x7, v4;
	v5 =	vand.u32 $0xFFFFFFF0, v5  }
0x106: {  	v4 =	vor.u32 v4, v5  }
0x107: {  	v5 =	vperm.xlane v4, v0;
	_ =	sdelay $0x1  }
0x108: {  	v4 =	vperm.xlane v4, v2;
	v5 =	vadd.s32 v1, v5;
	_ =	sdelay $0x1  }
0x109: {  	v4 =	vadd.s32 v1, v4;
	_ =	sdelay $0x2  }
0x10a: {  	[tilespmem:s17], [sflag:$0x1] =	stream.indirect_vreg.gather [hbm4b:s1+s3], $0x80, v5, vm0, $0xb8;
	[tilespmem:$0x8480] =	vst v63  }
0x10b: {  	_ = 	snop  }
0x10c: {  	[tilespmem:s18], [sflag:$0x1] =	stream.indirect_vreg.gather [hbm4b:s1+s3], $0x80, v4, vm0, $0xb8;
	[tilespmem:$0x8480] =	vst v63  }
0x10d: {  	v4 =	vld [tilespmem:$0x150];
	_ =	sdelay $0x4  }
0x10e: {  	v5 =	vshll.u32 v4, $0x1  }
0x10f: {  	v4 =	vand.u32 $0x7, v4;
	v5 =	vand.u32 $0xFFFFFFF0, v5  }
0x110: {  	v4 =	vor.u32 v4, v5  }
0x111: {  	v5 =	vperm.xlane v4, v0;
	_ =	sdelay $0x1  }
0x112: {  	v4 =	vperm.xlane v4, v2;
	v5 =	vadd.s32 v1, v5;
	_ =	sdelay $0x1  }
0x113: {  	v4 =	vadd.s32 v1, v4;
	_ =	sdelay $0x2  }
0x114: {  	[tilespmem:s19], [sflag:$0x1] =	stream.indirect_vreg.gather [hbm4b:s1+s3], $0x80, v5, vm0, $0xb8;
	[tilespmem:$0x8480] =	vst v63  }
0x115: {  	_ = 	snop  }
0x116: {  	[tilespmem:s20], [sflag:$0x1] =	stream.indirect_vreg.gather [hbm4b:s1+s3], $0x80, v4, vm0, $0xb8;
	[tilespmem:$0x8480] =	vst v63  }
0x117: {  	v4 =	vld [tilespmem:$0x160];
	_ =	sdelay $0x4  }
0x118: {  	v5 =	vshll.u32 v4, $0x1  }
0x119: {  	v4 =	vand.u32 $0x7, v4;
	v5 =	vand.u32 $0xFFFFFFF0, v5  }
0x11a: {  	v4 =	vor.u32 v4, v5  }
0x11b: {  	v5 =	vperm.xlane v4, v0;
	_ =	sdelay $0x1  }
0x11c: {  	v4 =	vperm.xlane v4, v2;
	v5 =	vadd.s32 v1, v5;
	_ =	sdelay $0x1  }
0x11d: {  	v4 =	vadd.s32 v1, v4;
	_ =	sdelay $0x2  }
0x11e: {  	[tilespmem:s21], [sflag:$0x1] =	stream.indirect_vreg.gather [hbm4b:s1+s3], $0x80, v5, vm0, $0xb8;
	[tilespmem:$0x8480] =	vst v63  }
0x11f: {  	_ = 	snop  }
0x120: {  	[tilespmem:s22], [sflag:$0x1] =	stream.indirect_vreg.gather [hbm4b:s1+s3], $0x80, v4, vm0, $0xb8;
	[tilespmem:$0x8480] =	vst v63  }
0x121: {  	v4 =	vld [tilespmem:$0x170];
	_ =	sdelay $0x4  }
0x122: {  	v5 =	vshll.u32 v4, $0x1  }
0x123: {  	v4 =	vand.u32 $0x7, v4;
	v5 =	vand.u32 $0xFFFFFFF0, v5  }
0x124: {  	v4 =	vor.u32 v4, v5  }
0x125: {  	v5 =	vperm.xlane v4, v0;
	_ =	sdelay $0x1  }
0x126: {  	v4 =	vperm.xlane v4, v2;
	v5 =	vadd.s32 v1, v5;
	_ =	sdelay $0x1  }
0x127: {  	v4 =	vadd.s32 v1, v4;
	_ =	sdelay $0x2  }
0x128: {  	[tilespmem:s23], [sflag:$0x1] =	stream.indirect_vreg.gather [hbm4b:s1+s3], $0x80, v5, vm0, $0xb8;
	[tilespmem:$0x8480] =	vst v63  }
0x129: {  	_ = 	snop  }
0x12a: {  	[tilespmem:s24], [sflag:$0x1] =	stream.indirect_vreg.gather [hbm4b:s1+s3], $0x80, v4, vm0, $0xb8;
	[tilespmem:$0x8480] =	vst v63  }
0x12b: {  	_ =	swait.ge [sflag:s25], $0x8000  }
0x12c: {  	[sflag:s25] =	ssyncset.done $0x0  }
0x12d: {  	s30 =	rddreg [dreg:$0xb];
	[sflag:s25] =	ssyncadd.s32 $0xFFFF8000  }
0x12e: {  	[hbm4b:s30+s3] =	stream.linear.scatter [tilespmem:s9], [sflag:$0x2], $0x8000, $0x38;
	[tilespmem:$0x8480] =	vst v63  }
0x12f: {  	_ =	swait.ge [sflag:s5], $0x8000  }
0x130: {  	[sflag:s5] =	ssyncset.done $0x0  }
0x131: {  	[sflag:s5] =	ssyncadd.s32 $0xFFFF8000  }
0x132: {  	v4 =	vld [tilespmem:$0x180];
	_ =	sdelay $0x4  }
0x133: {  	v5 =	vshll.u32 v4, $0x1  }
0x134: {  	v4 =	vand.u32 $0x7, v4;
	v5 =	vand.u32 $0xFFFFFFF0, v5  }
0x135: {  	v4 =	vor.u32 v4, v5  }
0x136: {  	v5 =	vperm.xlane v4, v0;
	_ =	sdelay $0x1  }
0x137: {  	v4 =	vperm.xlane v4, v2;
	v5 =	vadd.s32 v1, v5;
	_ =	sdelay $0x1  }
0x138: {  	v4 =	vadd.s32 v1, v4;
	_ =	sdelay $0x2  }
0x139: {  	[tilespmem:s9], [sflag:$0x1] =	stream.indirect_vreg.gather [hbm4b:s1+s3], $0x80, v5, vm0, $0xb8;
	[tilespmem:$0x8480] =	vst v63  }
0x13a: {  	_ = 	snop  }
0x13b: {  	[tilespmem:s10], [sflag:$0x1] =	stream.indirect_vreg.gather [hbm4b:s1+s3], $0x80, v4, vm0, $0xb8;
	[tilespmem:$0x8480] =	vst v63  }
0x13c: {  	v4 =	vld [tilespmem:$0x190];
	_ =	sdelay $0x4  }
0x13d: {  	v5 =	vshll.u32 v4, $0x1  }
0x13e: {  	v4 =	vand.u32 $0x7, v4;
	v5 =	vand.u32 $0xFFFFFFF0, v5  }
0x13f: {  	v4 =	vor.u32 v4, v5  }
0x140: {  	v5 =	vperm.xlane v4, v0;
	_ =	sdelay $0x1  }
0x141: {  	v4 =	vperm.xlane v4, v2;
	v5 =	vadd.s32 v1, v5;
	_ =	sdelay $0x1  }
0x142: {  	v4 =	vadd.s32 v1, v4;
	_ =	sdelay $0x2  }
0x143: {  	[tilespmem:s11], [sflag:$0x1] =	stream.indirect_vreg.gather [hbm4b:s1+s3], $0x80, v5, vm0, $0xb8;
	[tilespmem:$0x8480] =	vst v63  }
0x144: {  	_ = 	snop  }
0x145: {  	[tilespmem:s12], [sflag:$0x1] =	stream.indirect_vreg.gather [hbm4b:s1+s3], $0x80, v4, vm0, $0xb8;
	[tilespmem:$0x8480] =	vst v63  }
0x146: {  	v4 =	vld [tilespmem:$0x1A0];
	_ =	sdelay $0x4  }
0x147: {  	v5 =	vshll.u32 v4, $0x1  }
0x148: {  	v4 =	vand.u32 $0x7, v4;
	v5 =	vand.u32 $0xFFFFFFF0, v5  }
0x149: {  	v4 =	vor.u32 v4, v5  }
0x14a: {  	v5 =	vperm.xlane v4, v0;
	_ =	sdelay $0x1  }
0x14b: {  	v4 =	vperm.xlane v4, v2;
	v5 =	vadd.s32 v1, v5;
	_ =	sdelay $0x1  }
0x14c: {  	v4 =	vadd.s32 v1, v4;
	_ =	sdelay $0x2  }
0x14d: {  	[tilespmem:s13], [sflag:$0x1] =	stream.indirect_vreg.gather [hbm4b:s1+s3], $0x80, v5, vm0, $0xb8;
	[tilespmem:$0x8480] =	vst v63  }
0x14e: {  	_ = 	snop  }
0x14f: {  	[tilespmem:s14], [sflag:$0x1] =	stream.indirect_vreg.gather [hbm4b:s1+s3], $0x80, v4, vm0, $0xb8;
	[tilespmem:$0x8480] =	vst v63  }
0x150: {  	v4 =	vld [tilespmem:$0x1B0];
	_ =	sdelay $0x4  }
0x151: {  	v5 =	vshll.u32 v4, $0x1  }
0x152: {  	v4 =	vand.u32 $0x7, v4;
	v5 =	vand.u32 $0xFFFFFFF0, v5  }
0x153: {  	v4 =	vor.u32 v4, v5  }
0x154: {  	v5 =	vperm.xlane v4, v0;
	_ =	sdelay $0x1  }
0x155: {  	v4 =	vperm.xlane v4, v2;
	v5 =	vadd.s32 v1, v5;
	_ =	sdelay $0x1  }
0x156: {  	v4 =	vadd.s32 v1, v4;
	_ =	sdelay $0x2  }
0x157: {  	[tilespmem:s15], [sflag:$0x1] =	stream.indirect_vreg.gather [hbm4b:s1+s3], $0x80, v5, vm0, $0xb8;
	[tilespmem:$0x8480] =	vst v63  }
0x158: {  	_ = 	snop  }
0x159: {  	[tilespmem:s16], [sflag:$0x1] =	stream.indirect_vreg.gather [hbm4b:s1+s3], $0x80, v4, vm0, $0xb8;
	[tilespmem:$0x8480] =	vst v63  }
0x15a: {  	v4 =	vld [tilespmem:$0x1C0];
	_ =	sdelay $0x4  }
0x15b: {  	v5 =	vshll.u32 v4, $0x1  }
0x15c: {  	v4 =	vand.u32 $0x7, v4;
	v5 =	vand.u32 $0xFFFFFFF0, v5  }
0x15d: {  	v4 =	vor.u32 v4, v5  }
0x15e: {  	v5 =	vperm.xlane v4, v0;
	_ =	sdelay $0x1  }
0x15f: {  	v4 =	vperm.xlane v4, v2;
	v5 =	vadd.s32 v1, v5;
	_ =	sdelay $0x1  }
0x160: {  	v4 =	vadd.s32 v1, v4;
	_ =	sdelay $0x2  }
0x161: {  	[tilespmem:s17], [sflag:$0x1] =	stream.indirect_vreg.gather [hbm4b:s1+s3], $0x80, v5, vm0, $0xb8;
	[tilespmem:$0x8480] =	vst v63  }
0x162: {  	_ = 	snop  }
0x163: {  	[tilespmem:s18], [sflag:$0x1] =	stream.indirect_vreg.gather [hbm4b:s1+s3], $0x80, v4, vm0, $0xb8;
	[tilespmem:$0x8480] =	vst v63  }
0x164: {  	v4 =	vld [tilespmem:$0x1D0];
	_ =	sdelay $0x4  }
0x165: {  	v5 =	vshll.u32 v4, $0x1  }
0x166: {  	v4 =	vand.u32 $0x7, v4;
	v5 =	vand.u32 $0xFFFFFFF0, v5  }
0x167: {  	v4 =	vor.u32 v4, v5  }
0x168: {  	v5 =	vperm.xlane v4, v0;
	_ =	sdelay $0x1  }
0x169: {  	v4 =	vperm.xlane v4, v2;
	v5 =	vadd.s32 v1, v5;
	_ =	sdelay $0x1  }
0x16a: {  	v4 =	vadd.s32 v1, v4;
	_ =	sdelay $0x2  }
0x16b: {  	[tilespmem:s19], [sflag:$0x1] =	stream.indirect_vreg.gather [hbm4b:s1+s3], $0x80, v5, vm0, $0xb8;
	[tilespmem:$0x8480] =	vst v63  }
0x16c: {  	_ = 	snop  }
0x16d: {  	[tilespmem:s20], [sflag:$0x1] =	stream.indirect_vreg.gather [hbm4b:s1+s3], $0x80, v4, vm0, $0xb8;
	[tilespmem:$0x8480] =	vst v63  }
0x16e: {  	v4 =	vld [tilespmem:$0x1E0];
	_ =	sdelay $0x4  }
0x16f: {  	v5 =	vshll.u32 v4, $0x1  }
0x170: {  	v4 =	vand.u32 $0x7, v4;
	v5 =	vand.u32 $0xFFFFFFF0, v5  }
0x171: {  	v4 =	vor.u32 v4, v5  }
0x172: {  	v5 =	vperm.xlane v4, v0;
	_ =	sdelay $0x1  }
0x173: {  	v4 =	vperm.xlane v4, v2;
	v5 =	vadd.s32 v1, v5;
	_ =	sdelay $0x1  }
0x174: {  	v4 =	vadd.s32 v1, v4;
	_ =	sdelay $0x2  }
0x175: {  	[tilespmem:s21], [sflag:$0x1] =	stream.indirect_vreg.gather [hbm4b:s1+s3], $0x80, v5, vm0, $0xb8;
	[tilespmem:$0x8480] =	vst v63  }
0x176: {  	_ = 	snop  }
0x177: {  	[tilespmem:s22], [sflag:$0x1] =	stream.indirect_vreg.gather [hbm4b:s1+s3], $0x80, v4, vm0, $0xb8;
	[tilespmem:$0x8480] =	vst v63  }
0x178: {  	v4 =	vld [tilespmem:$0x1F0];
	_ =	sdelay $0x4  }
0x179: {  	v5 =	vshll.u32 v4, $0x1  }
0x17a: {  	v4 =	vand.u32 $0x7, v4;
	v5 =	vand.u32 $0xFFFFFFF0, v5  }
0x17b: {  	v4 =	vor.u32 v4, v5  }
0x17c: {  	v5 =	vperm.xlane v4, v0;
	_ =	sdelay $0x1  }
0x17d: {  	v4 =	vperm.xlane v4, v2;
	v5 =	vadd.s32 v1, v5;
	_ =	sdelay $0x1  }
0x17e: {  	v4 =	vadd.s32 v1, v4;
	_ =	sdelay $0x2  }
0x17f: {  	[tilespmem:s23], [sflag:$0x1] =	stream.indirect_vreg.gather [hbm4b:s1+s3], $0x80, v5, vm0, $0xb8;
	[tilespmem:$0x8480] =	vst v63  }
0x180: {  	_ = 	snop  }
0x181: {  	[tilespmem:s24], [sflag:$0x1] =	stream.indirect_vreg.gather [hbm4b:s1+s3], $0x80, v4, vm0, $0xb8;
	[tilespmem:$0x8480] =	vst v63  }
0x182: {  	_ =	swait.ge [sflag:s25], $0x8000  }
0x183: {  	[sflag:s25] =	ssyncset.done $0x0  }
0x184: {  	s31 =	rddreg [dreg:$0xc];
	[sflag:s25] =	ssyncadd.s32 $0xFFFF8000  }
0x185: {  	[hbm4b:s31+s3] =	stream.linear.scatter [tilespmem:s9], [sflag:$0x2], $0x8000, $0x38;
	[tilespmem:$0x8480] =	vst v63  }
0x186: {  	_ =	swait.ge [sflag:s5], $0x8000  }
0x187: {  	[sflag:s5] =	ssyncset.done $0x0  }
0x188: {  	[sflag:s5] =	ssyncadd.s32 $0xFFFF8000  }
0x189: {  	[tilespmem:$0x8200] =	vst v3  }
0x18a: {  	[tilespmem:$0x8210] =	vst v3  }
0x18b: {  	[tilespmem:$0x8220] =	vst v3  }
0x18c: {  	[tilespmem:$0x8230] =	vst v3  }
0x18d: {  	[tilespmem:$0x8240] =	vst v3  }
0x18e: {  	[tilespmem:$0x8250] =	vst v3  }
0x18f: {  	s0 =	simm.s32 @!p0 $0x20;
	s7 =	simm.s32 @!p0 $0x1C02;
	s29 =	sshrl.u32 @!p0 s2, $0x3;
	[tilespmem:$0x8260] =	vst v3  }
0x190: {  	s30 =	simm.s32 @!p0 $0x1;
	s31 =	simm.s32 @!p0 $0x10;
	s28 =	rddreg [dreg:$0xd];
	[tilespmem:$0x8270] =	vst v3  }
0x191: {  	[spmem:s29@s31], [sflag:s7] =	dma.strided @!p0 [hbm:s28@s0], $0x400, s30, $0x10   }
0x192: {  	s28 =	simm.s32 @!p0 $0x2  }
0x193: {  	_ =	swait.ge @!p0 [sflag:s28], $0x400  }
0x194: {  	[sflag:s28] =	ssyncset.done @!p0 $0x0  }
0x195: {  	[sflag:s28] =	ssyncadd.s32 @!p0 $0xFFFFFC00  }
0x196: {  	[bflag:$0x0] =	sbarrier.arrive $0xFFFF  }
0x197: {  	[spmem:s2] =	stream.indirect.scatter.add.f32 [tilespmem:s26], [sflag:$0x2], $0x1, s3, s6, $0xb8;
	[tilespmem:$0x8480] =	vst v63  }
0x198: {  	_ =	swait.ge [sflag:s5], $0x80  }
0x199: {  	[sflag:s5] =	ssyncset.done $0x0  }
0x19a: {  	[sflag:s5] =	ssyncadd.s32 $0xFFFFFF80  }
0x19b: {  	[spmem:s2] =	stream.indirect.scatter.add.f32 [tilespmem:s26], [sflag:$0x2], $0x1, s6, s6, $0xb8;
	[tilespmem:$0x8480] =	vst v63  }
0x19c: {  	_ =	swait.ge [sflag:s5], $0x80  }
0x19d: {  	[sflag:s5] =	ssyncset.done $0x0  }
0x19e: {  	s8 =	simm.s32 $0x100;
	[sflag:s5] =	ssyncadd.s32 $0xFFFFFF80  }
0x19f: {  	[spmem:s2] =	stream.indirect.scatter.add.f32 [tilespmem:s26], [sflag:$0x2], $0x1, s8, s6, $0xb8;
	[tilespmem:$0x8480] =	vst v63  }
0x1a0: {  	_ =	swait.ge [sflag:s5], $0x80  }
0x1a1: {  	[sflag:s5] =	ssyncset.done $0x0  }
0x1a2: {  	s8 =	simm.s32 $0x180;
	[sflag:s5] =	ssyncadd.s32 $0xFFFFFF80  }
0x1a3: {  	[spmem:s2] =	stream.indirect.scatter.add.f32 [tilespmem:s26], [sflag:$0x2], $0x1, s8, s6, $0xb8;
	[tilespmem:$0x8480] =	vst v63  }
0x1a4: {  	_ =	swait.ge [sflag:s5], $0x80  }
0x1a5: {  	[sflag:s5] =	ssyncset.done $0x0  }
0x1a6: {  	s4 =	sadd.s32 $0xFFFFFFFF, s4;
	[sflag:s5] =	ssyncadd.s32 $0xFFFFFF80  }
0x1a7: {  	p1 =	sne.s32 s4, $0x0;
	[bflag:$0x0] =	sbarrier.arrive $0xFFFF  }
.Ltmp0:
0x1a8: {  	s8 =	rddreg [dreg:$0xe];
	(pc) =	sbr.rel @p1 .LBB2_1-.Ltmp0, $4  }
0x1a9: {  	[hbm:s8@s0], [sflag:s7] =	dma.strided @!p0 [spmem:s29@s31], $0x400, s30, $0x10   }
0x1aa: {  	_ =	swait.ge @!p0 [sflag:s28], $0x400  }
0x1ab: {  	[sflag:s28] =	ssyncset.done @!p0 $0x0  }
0x1ac: {  	[sflag:s28] =	ssyncadd.s32 @!p0 $0xFFFFFC00  }
0x1ad: {  	_ =	sfence.sel $0x180000  }
0x1ae: {  	[bflag:$0x0] =	sbarrier.arrive $0xFFFF  }
0x1af: {  	_ =	strace $0x90000047  }
0x1b0: {  	[bflag:$0x2] =	sbarrier.arrive $0xFFFF  }
0x1b1: {  	s0 =	rddreg [dreg:$0x4]  }
0x1b2: {  	s0 =	sadd.s32 @!p0 $0x100000, s0  }
0x1b3: {  	[sflag:s0] =	ssyncadd.tile.s32 @!p0 $0x1;
	_ =	shalt  }
.Lfunc_end2:
_tile_overlayer_lowered:
.L_overlay_start_2:
0x1b4: {  	(tag) =	ssettag $0x2  }
0x1b5: {  	s0 =	rddreg [dreg:$0x0];
	s2 =	stileid.u32  }
0x1b6: {  	s1 =	rddreg [dreg:$0x1];
	p0 =	sne.s32 s2, $0x0  }
0x1b7: {  	s3 =	rddreg [dreg:$0x2];
	[bflag:$0x3] =	sbarrier.arrive $0xFFFF;
	s2 =	simm.s32 @!p0 $0x1C02  }
0x1b8: {  	[timem:s3], [sflag:s2] =	dma.local @!p0 [hbm:s0], s1  }
0x1b9: {  	s0 =	simm.s32 @!p0 $0x2  }
0x1ba: {  	_ =	swait.ge @!p0 [sflag:s0], s1  }
0x1bb: {  	s1 =	ssub.s32 @!p0 $0x0, s1;
	[sflag:s0] =	ssyncset.done @!p0 $0x0  }
0x1bc: {  	[sflag:s0] =	ssyncadd.s32 @!p0 s1  }
0x1bd: {  	[bflag:$0x3] =	sbarrier.arrive $0xFFFF  }
0x1be: {  	_ =	shalt  }

</sc_bundles>
